<compile_context>
chip_gen: v7x
topology: tpu7x:2x2x1
jax: 0.10.2.dev20260603
libtpu: 0.0.44.dev20260713+nightly
codegen_flags: <defaults>
</compile_context>

<pallas_src>
import functools

import jax
import jax.numpy as jnp
from jax import lax
from jax.experimental import pallas as pl
from jax.experimental.pallas import tpu as pltpu
from jax.experimental.pallas import tpu_sc as plsc

_SITES = 20
_BATCH = 16384
_TABLE = 2 ** _SITES
_HALF = _TABLE // 2
_NW = 32
_ROWS = _BATCH // _NW
_L = 16
_W = 8
_HROWS = _HALF // _W

_mesh = plsc.VectorSubcoreMesh(core_axis_name="c", subcore_axis_name="s")


@functools.partial(
    pl.kernel,
    out_type=jax.ShapeDtypeStruct((_BATCH,), jnp.int32),
    mesh=_mesh,
    scratch_types=[
        pltpu.VMEM((_SITES, _ROWS), jnp.int32),
        pltpu.VMEM((_ROWS,), jnp.int32),
    ],
    compiler_params=pltpu.CompilerParams(
        needs_layout_passes=False,
        use_tc_tiling_on_sc=True,
    ),
)
def _pack(st_hbm, idx_hbm, st_v, idx_v):
    wid = lax.axis_index("s") * 2 + lax.axis_index("c")
    base = wid * _ROWS

    pltpu.sync_copy(st_hbm.at[pl.ds(0, _SITES), pl.ds(base, _ROWS)], st_v)

    def pack_group(g, carry):
        acc = jnp.zeros((_L,), jnp.int32)
        for j in range(_SITES):
            acc = acc * 2 + st_v[j, pl.ds(g * _L, _L)]
        idx_v[pl.ds(g * _L, _L)] = acc
        return carry

    lax.fori_loop(0, _ROWS // _L, pack_group, 0)
    pltpu.sync_copy(idx_v, idx_hbm.at[pl.ds(base, _ROWS)])


@functools.partial(
    pl.kernel,
    out_type=jax.ShapeDtypeStruct((_BATCH,), jnp.float32),
    mesh=_mesh,
    scratch_types=[
        pltpu.VMEM((_ROWS,), jnp.int32),
        pltpu.VMEM((_ROWS,), jnp.int32),
        pltpu.VMEM((_ROWS,), jnp.int32),
        pltpu.VMEM((_ROWS, _W), jnp.float32),
        pltpu.VMEM((_ROWS, _W), jnp.float32),
        pltpu.VMEM((_ROWS,), jnp.float32),
        pltpu.SemaphoreType.DMA,
    ],
    compiler_params=pltpu.CompilerParams(
        needs_layout_passes=False,
        use_tc_tiling_on_sc=False,
    ),
)
def _gather_plane(idx_hbm, lo_hbm, hi_hbm, out_hbm,
                  idx_v, rlo_v, rhi_v, glo_v, ghi_v, o_v, sem):
    wid = lax.axis_index("s") * 2 + lax.axis_index("c")
    base = wid * _ROWS

    pltpu.sync_copy(idx_hbm.at[pl.ds(base, _ROWS)], idx_v)

    lanes = lax.iota(jnp.int32, _L)

    def rowcalc_group(g, carry):
        row = idx_v[pl.ds(g * _L, _L)] >> 3
        rlo_v[pl.ds(g * _L, _L)] = row & (_HROWS - 1)
        rhi_v[pl.ds(g * _L, _L)] = (row - _HROWS) & (_HROWS - 1)
        return carry

    lax.fori_loop(0, _ROWS // _L, rowcalc_group, 0)

    cp_lo = pltpu.make_async_copy(lo_hbm.at[rlo_v], glo_v, sem)
    cp_hi = pltpu.make_async_copy(hi_hbm.at[rhi_v], ghi_v, sem)
    cp_lo.start()
    cp_hi.start()
    cp_lo.wait()
    cp_hi.wait()

    def extract_group(g, carry):
        rows = g * _L + lanes
        idx = idx_v[pl.ds(g * _L, _L)]
        col = idx & (_W - 1)
        vlo = plsc.load_gather(glo_v, [rows, col])
        vhi = plsc.load_gather(ghi_v, [rows, col])
        o_v[pl.ds(g * _L, _L)] = jnp.where(idx >= _HALF, vhi, vlo)
        return carry

    lax.fori_loop(0, _ROWS // _L, extract_group, 0)

    pltpu.sync_copy(o_v, out_hbm.at[pl.ds(base, _ROWS)])


def kernel(s, log_psi):
    st = s.astype(jnp.int32).T
    idx = _pack(st)
    re = jnp.real(log_psi)
    re_lo, re_hi = lax.optimization_barrier((re[:_HALF], re[_HALF:]))
    o_re = _gather_plane(idx,
                         re_lo.reshape(_HROWS, _W),
                         re_hi.reshape(_HROWS, _W))
    im = jnp.imag(log_psi)
    im_lo, im_hi = lax.optimization_barrier((im[:_HALF], im[_HALF:]))
    o_im = _gather_plane(idx,
                         im_lo.reshape(_HROWS, _W),
                         im_hi.reshape(_HROWS, _W))
    return lax.complex(o_re, o_im)

# --- scband reference (transcript-rebuilt; emitter-appended) ---
"""Pipeline reference for scband-full-param-20572893348382 (READ-ONLY COPY).

The authoritative reference and input builder live on the scoring server;
editing this copy changes nothing except your own understanding.
"""

import jax, jax.numpy as jnp
import numpy as np

NB_SITES = 20
LOCAL_DIM = 2
BATCH = 16384


def setup_inputs(seed: int = 0) -> dict:
    key = jax.random.key(seed)
    k1, k2, k3 = jax.random.split(key, 3)
    s = jax.random.randint(k1, (BATCH, NB_SITES), 0, LOCAL_DIM)
    size = LOCAL_DIM ** NB_SITES
    # materialize learned parameter log_psi per init_normal(): normal complex psi,
    # normalized, then log
    psi_re = jax.random.normal(k2, (size,), dtype=jnp.float32)
    psi_im = jax.random.normal(k3, (size,), dtype=jnp.float32)
    psi = (psi_re + 1j * psi_im).astype(jnp.complex64)
    psi = psi / jnp.linalg.norm(psi)
    log_psi = jnp.log(psi)
    return {"s": s, "log_psi": log_psi}


def reference(s, log_psi):
    # normalize=False, so skip the logsumexp correction
    powers_of_d = jnp.flip(jnp.array([LOCAL_DIM ** i for i in range(NB_SITES)]))
    inds = (s.astype(int) * powers_of_d).sum(-1)
    return log_psi[inds]

if __name__ == "__main__":
    import jax
    _d = setup_inputs()
    print(jax.jit(kernel)(*tuple(_d.values())))

</pallas_src>

<mosaic_0001>
#map = affine_map<(d0, d1) -> (0, 0)>
#map1 = affine_map<(d0, d1) -> (0)>
module attributes {stable_mosaic.version = 14 : i64} {
  func.func @_pack(%arg0: i32, %arg1: i32, %arg2: memref<20x16384xi32, #tpu.memory_space<hbm>>, %arg3: memref<16384xi32, #tpu.memory_space<hbm>>, %arg4: memref<20x512xi32, #tpu.memory_space<vmem>>, %arg5: memref<512xi32, #tpu.memory_space<vmem>>) attributes {dimension_semantics = [#tpu.dimension_semantics<core_parallel>, #tpu.dimension_semantics<subcore_parallel>], iteration_bounds = array<i64: 2, 16>, scalar_prefetch = 0 : i64, scratch_operands = 2 : i64, tpu.core_type = #tpu.core_type<sc_vector_subcore>, window_params = [{transform_indices = #map}, {transform_indices = #map1}]} {
    %mul3A = arith.constant 2 : i32
    %mul3A_0 = arith.muli %arg1, %mul3A : i32
    %add3A = arith.addi %mul3A_0, %arg0 : i32
    %mul3A_1 = arith.constant 512 : i32
    %mul3A_2 = arith.muli %add3A, %mul3A_1 : i32
    "tpu.region"() ({
      %run_scoped3A = tpu.sem_alloc : memref<!tpu.dma_semaphore, #tpu.memory_space<semaphore_mem>>
      %dma_start3A = arith.constant 0 : i32
      %dma_start3A_8 = tpu.memref_slice %arg2[%dma_start3A, %mul3A_2] : memref<20x16384xi32, #tpu.memory_space<hbm>> -> memref<20x512xi32, #tpu.memory_space<hbm>>
      %dma_start3A_9 = arith.constant 0 : i32
      %dma_start3A_10 = tpu.memref_slice %arg2[%dma_start3A_9, %mul3A_2] : memref<20x16384xi32, #tpu.memory_space<hbm>> -> memref<20x512xi32, #tpu.memory_space<hbm>>
      tpu.enqueue_dma source(%dma_start3A_10 : memref<20x512xi32, #tpu.memory_space<hbm>>) target(%arg4 : memref<20x512xi32, #tpu.memory_space<vmem>>) target_semaphore(%run_scoped3A : memref<!tpu.dma_semaphore, #tpu.memory_space<semaphore_mem>>)
      %dma_wait3A = arith.constant 0 : i32
      %dma_wait3A_11 = tpu.memref_slice %arg2[%dma_wait3A, %mul3A_2] : memref<20x16384xi32, #tpu.memory_space<hbm>> -> memref<20x512xi32, #tpu.memory_space<hbm>>
      %dma_wait3A_12 = arith.constant 0 : i32
      %dma_wait3A_13 = tpu.memref_slice %arg2[%dma_wait3A_12, %mul3A_2] : memref<20x16384xi32, #tpu.memory_space<hbm>> -> memref<20x512xi32, #tpu.memory_space<hbm>>
      tpu.wait_dma2 semaphore(%run_scoped3A : memref<!tpu.dma_semaphore, #tpu.memory_space<semaphore_mem>>) src(%dma_wait3A_13 : memref<20x512xi32, #tpu.memory_space<hbm>>) dst(%arg4 : memref<20x512xi32, #tpu.memory_space<vmem>>)
      tpu.yield
    }) : () -> ()
    %scan3A = arith.constant 0 : i32
    %scan3A_3 = arith.constant 0 : i32
    %scan3A_4 = arith.constant 32 : i32
    %scan3A_5 = arith.addi %scan3A_3, %scan3A_4 : i32
    %scan3A_6 = arith.constant 1 : i32
    scf.for %scan3A_8 = %scan3A_3 to %scan3A_5 step %scan3A_6  : i32 {
      %broadcast_in_dim3A = arith.constant 0 : i32
      %broadcast_in_dim3A_9 = vector.broadcast %broadcast_in_dim3A : i32 to vector<16xi32>
      %mul3A_10 = arith.constant 2 : i32
      %mul3A_11 = vector.broadcast %mul3A_10 : i32 to vector<16xi32>
      %mul3A_12 = arith.muli %broadcast_in_dim3A_9, %mul3A_11 : vector<16xi32>
      %mul3A_13 = arith.constant 16 : i32
      %mul3A_14 = arith.muli %scan3A_8, %mul3A_13 : i32
      %get3A = arith.constant 0 : i32
      %get3A_15 = arith.index_cast %get3A : i32 to index
      %get3A_16 = arith.index_cast %mul3A_14 : i32 to index
      %get3A_17 = tpu.vector_load %arg4[%get3A_15, %get3A_16] {strides = array<i32>} : memref<20x512xi32, #tpu.memory_space<vmem>>, vector<16xi32>,
      %add3A_18 = arith.addi %mul3A_12, %get3A_17 : vector<16xi32>
      %mul3A_19 = arith.constant 2 : i32
      %mul3A_20 = vector.broadcast %mul3A_19 : i32 to vector<16xi32>
      %mul3A_21 = arith.muli %add3A_18, %mul3A_20 : vector<16xi32>
      %mul3A_22 = arith.constant 16 : i32
      %mul3A_23 = arith.muli %scan3A_8, %mul3A_22 : i32
      %get3A_24 = arith.constant 1 : i32
      %get3A_25 = arith.index_cast %get3A_24 : i32 to index
      %get3A_26 = arith.index_cast %mul3A_23 : i32 to index
      %get3A_27 = tpu.vector_load %arg4[%get3A_25, %get3A_26] {strides = array<i32>} : memref<20x512xi32, #tpu.memory_space<vmem>>, vector<16xi32>,
      %add3A_28 = arith.addi %mul3A_21, %get3A_27 : vector<16xi32>
      %mul3A_29 = arith.constant 2 : i32
      %mul3A_30 = vector.broadcast %mul3A_29 : i32 to vector<16xi32>
      %mul3A_31 = arith.muli %add3A_28, %mul3A_30 : vector<16xi32>
      %mul3A_32 = arith.constant 16 : i32
      %mul3A_33 = arith.muli %scan3A_8, %mul3A_32 : i32
      %get3A_34 = arith.constant 2 : i32
      %get3A_35 = arith.index_cast %get3A_34 : i32 to index
      %get3A_36 = arith.index_cast %mul3A_33 : i32 to index
      %get3A_37 = tpu.vector_load %arg4[%get3A_35, %get3A_36] {strides = array<i32>} : memref<20x512xi32, #tpu.memory_space<vmem>>, vector<16xi32>,
      %add3A_38 = arith.addi %mul3A_31, %get3A_37 : vector<16xi32>
      %mul3A_39 = arith.constant 2 : i32
      %mul3A_40 = vector.broadcast %mul3A_39 : i32 to vector<16xi32>
      %mul3A_41 = arith.muli %add3A_38, %mul3A_40 : vector<16xi32>
      %mul3A_42 = arith.constant 16 : i32
      %mul3A_43 = arith.muli %scan3A_8, %mul3A_42 : i32
      %get3A_44 = arith.constant 3 : i32
      %get3A_45 = arith.index_cast %get3A_44 : i32 to index
      %get3A_46 = arith.index_cast %mul3A_43 : i32 to index
      %get3A_47 = tpu.vector_load %arg4[%get3A_45, %get3A_46] {strides = array<i32>} : memref<20x512xi32, #tpu.memory_space<vmem>>, vector<16xi32>,
      %add3A_48 = arith.addi %mul3A_41, %get3A_47 : vector<16xi32>
      %mul3A_49 = arith.constant 2 : i32
      %mul3A_50 = vector.broadcast %mul3A_49 : i32 to vector<16xi32>
      %mul3A_51 = arith.muli %add3A_48, %mul3A_50 : vector<16xi32>
      %mul3A_52 = arith.constant 16 : i32
      %mul3A_53 = arith.muli %scan3A_8, %mul3A_52 : i32
      %get3A_54 = arith.constant 4 : i32
      %get3A_55 = arith.index_cast %get3A_54 : i32 to index
      %get3A_56 = arith.index_cast %mul3A_53 : i32 to index
      %get3A_57 = tpu.vector_load %arg4[%get3A_55, %get3A_56] {strides = array<i32>} : memref<20x512xi32, #tpu.memory_space<vmem>>, vector<16xi32>,
      %add3A_58 = arith.addi %mul3A_51, %get3A_57 : vector<16xi32>
      %mul3A_59 = arith.constant 2 : i32
      %mul3A_60 = vector.broadcast %mul3A_59 : i32 to vector<16xi32>
      %mul3A_61 = arith.muli %add3A_58, %mul3A_60 : vector<16xi32>
      %mul3A_62 = arith.constant 16 : i32
      %mul3A_63 = arith.muli %scan3A_8, %mul3A_62 : i32
      %get3A_64 = arith.constant 5 : i32
      %get3A_65 = arith.index_cast %get3A_64 : i32 to index
      %get3A_66 = arith.index_cast %mul3A_63 : i32 to index
      %get3A_67 = tpu.vector_load %arg4[%get3A_65, %get3A_66] {strides = array<i32>} : memref<20x512xi32, #tpu.memory_space<vmem>>, vector<16xi32>,
      %add3A_68 = arith.addi %mul3A_61, %get3A_67 : vector<16xi32>
      %mul3A_69 = arith.constant 2 : i32
      %mul3A_70 = vector.broadcast %mul3A_69 : i32 to vector<16xi32>
      %mul3A_71 = arith.muli %add3A_68, %mul3A_70 : vector<16xi32>
      %mul3A_72 = arith.constant 16 : i32
      %mul3A_73 = arith.muli %scan3A_8, %mul3A_72 : i32
      %get3A_74 = arith.constant 6 : i32
      %get3A_75 = arith.index_cast %get3A_74 : i32 to index
      %get3A_76 = arith.index_cast %mul3A_73 : i32 to index
      %get3A_77 = tpu.vector_load %arg4[%get3A_75, %get3A_76] {strides = array<i32>} : memref<20x512xi32, #tpu.memory_space<vmem>>, vector<16xi32>,
      %add3A_78 = arith.addi %mul3A_71, %get3A_77 : vector<16xi32>
      %mul3A_79 = arith.constant 2 : i32
      %mul3A_80 = vector.broadcast %mul3A_79 : i32 to vector<16xi32>
      %mul3A_81 = arith.muli %add3A_78, %mul3A_80 : vector<16xi32>
      %mul3A_82 = arith.constant 16 : i32
      %mul3A_83 = arith.muli %scan3A_8, %mul3A_82 : i32
      %get3A_84 = arith.constant 7 : i32
      %get3A_85 = arith.index_cast %get3A_84 : i32 to index
      %get3A_86 = arith.index_cast %mul3A_83 : i32 to index
      %get3A_87 = tpu.vector_load %arg4[%get3A_85, %get3A_86] {strides = array<i32>} : memref<20x512xi32, #tpu.memory_space<vmem>>, vector<16xi32>,
      %add3A_88 = arith.addi %mul3A_81, %get3A_87 : vector<16xi32>
      %mul3A_89 = arith.constant 2 : i32
      %mul3A_90 = vector.broadcast %mul3A_89 : i32 to vector<16xi32>
      %mul3A_91 = arith.muli %add3A_88, %mul3A_90 : vector<16xi32>
      %mul3A_92 = arith.constant 16 : i32
      %mul3A_93 = arith.muli %scan3A_8, %mul3A_92 : i32
      %get3A_94 = arith.constant 8 : i32
      %get3A_95 = arith.index_cast %get3A_94 : i32 to index
      %get3A_96 = arith.index_cast %mul3A_93 : i32 to index
      %get3A_97 = tpu.vector_load %arg4[%get3A_95, %get3A_96] {strides = array<i32>} : memref<20x512xi32, #tpu.memory_space<vmem>>, vector<16xi32>,
      %add3A_98 = arith.addi %mul3A_91, %get3A_97 : vector<16xi32>
      %mul3A_99 = arith.constant 2 : i32
      %mul3A_100 = vector.broadcast %mul3A_99 : i32 to vector<16xi32>
      %mul3A_101 = arith.muli %add3A_98, %mul3A_100 : vector<16xi32>
      %mul3A_102 = arith.constant 16 : i32
      %mul3A_103 = arith.muli %scan3A_8, %mul3A_102 : i32
      %get3A_104 = arith.constant 9 : i32
      %get3A_105 = arith.index_cast %get3A_104 : i32 to index
      %get3A_106 = arith.index_cast %mul3A_103 : i32 to index
      %get3A_107 = tpu.vector_load %arg4[%get3A_105, %get3A_106] {strides = array<i32>} : memref<20x512xi32, #tpu.memory_space<vmem>>, vector<16xi32>,
      %add3A_108 = arith.addi %mul3A_101, %get3A_107 : vector<16xi32>
      %mul3A_109 = arith.constant 2 : i32
      %mul3A_110 = vector.broadcast %mul3A_109 : i32 to vector<16xi32>
      %mul3A_111 = arith.muli %add3A_108, %mul3A_110 : vector<16xi32>
      %mul3A_112 = arith.constant 16 : i32
      %mul3A_113 = arith.muli %scan3A_8, %mul3A_112 : i32
      %get3A_114 = arith.constant 10 : i32
      %get3A_115 = arith.index_cast %get3A_114 : i32 to index
      %get3A_116 = arith.index_cast %mul3A_113 : i32 to index
      %get3A_117 = tpu.vector_load %arg4[%get3A_115, %get3A_116] {strides = array<i32>} : memref<20x512xi32, #tpu.memory_space<vmem>>, vector<16xi32>,
      %add3A_118 = arith.addi %mul3A_111, %get3A_117 : vector<16xi32>
      %mul3A_119 = arith.constant 2 : i32
      %mul3A_120 = vector.broadcast %mul3A_119 : i32 to vector<16xi32>
      %mul3A_121 = arith.muli %add3A_118, %mul3A_120 : vector<16xi32>
      %mul3A_122 = arith.constant 16 : i32
      %mul3A_123 = arith.muli %scan3A_8, %mul3A_122 : i32
      %get3A_124 = arith.constant 11 : i32
      %get3A_125 = arith.index_cast %get3A_124 : i32 to index
      %get3A_126 = arith.index_cast %mul3A_123 : i32 to index
      %get3A_127 = tpu.vector_load %arg4[%get3A_125, %get3A_126] {strides = array<i32>} : memref<20x512xi32, #tpu.memory_space<vmem>>, vector<16xi32>,
      %add3A_128 = arith.addi %mul3A_121, %get3A_127 : vector<16xi32>
      %mul3A_129 = arith.constant 2 : i32
      %mul3A_130 = vector.broadcast %mul3A_129 : i32 to vector<16xi32>
      %mul3A_131 = arith.muli %add3A_128, %mul3A_130 : vector<16xi32>
      %mul3A_132 = arith.constant 16 : i32
      %mul3A_133 = arith.muli %scan3A_8, %mul3A_132 : i32
      %get3A_134 = arith.constant 12 : i32
      %get3A_135 = arith.index_cast %get3A_134 : i32 to index
      %get3A_136 = arith.index_cast %mul3A_133 : i32 to index
      %get3A_137 = tpu.vector_load %arg4[%get3A_135, %get3A_136] {strides = array<i32>} : memref<20x512xi32, #tpu.memory_space<vmem>>, vector<16xi32>,
      %add3A_138 = arith.addi %mul3A_131, %get3A_137 : vector<16xi32>
      %mul3A_139 = arith.constant 2 : i32
      %mul3A_140 = vector.broadcast %mul3A_139 : i32 to vector<16xi32>
      %mul3A_141 = arith.muli %add3A_138, %mul3A_140 : vector<16xi32>
      %mul3A_142 = arith.constant 16 : i32
      %mul3A_143 = arith.muli %scan3A_8, %mul3A_142 : i32
      %get3A_144 = arith.constant 13 : i32
      %get3A_145 = arith.index_cast %get3A_144 : i32 to index
      %get3A_146 = arith.index_cast %mul3A_143 : i32 to index
      %get3A_147 = tpu.vector_load %arg4[%get3A_145, %get3A_146] {strides = array<i32>} : memref<20x512xi32, #tpu.memory_space<vmem>>, vector<16xi32>,
      %add3A_148 = arith.addi %mul3A_141, %get3A_147 : vector<16xi32>
      %mul3A_149 = arith.constant 2 : i32
      %mul3A_150 = vector.broadcast %mul3A_149 : i32 to vector<16xi32>
      %mul3A_151 = arith.muli %add3A_148, %mul3A_150 : vector<16xi32>
      %mul3A_152 = arith.constant 16 : i32
      %mul3A_153 = arith.muli %scan3A_8, %mul3A_152 : i32
      %get3A_154 = arith.constant 14 : i32
      %get3A_155 = arith.index_cast %get3A_154 : i32 to index
      %get3A_156 = arith.index_cast %mul3A_153 : i32 to index
      %get3A_157 = tpu.vector_load %arg4[%get3A_155, %get3A_156] {strides = array<i32>} : memref<20x512xi32, #tpu.memory_space<vmem>>, vector<16xi32>,
      %add3A_158 = arith.addi %mul3A_151, %get3A_157 : vector<16xi32>
      %mul3A_159 = arith.constant 2 : i32
      %mul3A_160 = vector.broadcast %mul3A_159 : i32 to vector<16xi32>
      %mul3A_161 = arith.muli %add3A_158, %mul3A_160 : vector<16xi32>
      %mul3A_162 = arith.constant 16 : i32
      %mul3A_163 = arith.muli %scan3A_8, %mul3A_162 : i32
      %get3A_164 = arith.constant 15 : i32
      %get3A_165 = arith.index_cast %get3A_164 : i32 to index
      %get3A_166 = arith.index_cast %mul3A_163 : i32 to index
      %get3A_167 = tpu.vector_load %arg4[%get3A_165, %get3A_166] {strides = array<i32>} : memref<20x512xi32, #tpu.memory_space<vmem>>, vector<16xi32>,
      %add3A_168 = arith.addi %mul3A_161, %get3A_167 : vector<16xi32>
      %mul3A_169 = arith.constant 2 : i32
      %mul3A_170 = vector.broadcast %mul3A_169 : i32 to vector<16xi32>
      %mul3A_171 = arith.muli %add3A_168, %mul3A_170 : vector<16xi32>
      %mul3A_172 = arith.constant 16 : i32
      %mul3A_173 = arith.muli %scan3A_8, %mul3A_172 : i32
      %get3A_174 = arith.constant 16 : i32
      %get3A_175 = arith.index_cast %get3A_174 : i32 to index
      %get3A_176 = arith.index_cast %mul3A_173 : i32 to index
      %get3A_177 = tpu.vector_load %arg4[%get3A_175, %get3A_176] {strides = array<i32>} : memref<20x512xi32, #tpu.memory_space<vmem>>, vector<16xi32>,
      %add3A_178 = arith.addi %mul3A_171, %get3A_177 : vector<16xi32>
      %mul3A_179 = arith.constant 2 : i32
      %mul3A_180 = vector.broadcast %mul3A_179 : i32 to vector<16xi32>
      %mul3A_181 = arith.muli %add3A_178, %mul3A_180 : vector<16xi32>
      %mul3A_182 = arith.constant 16 : i32
      %mul3A_183 = arith.muli %scan3A_8, %mul3A_182 : i32
      %get3A_184 = arith.constant 17 : i32
      %get3A_185 = arith.index_cast %get3A_184 : i32 to index
      %get3A_186 = arith.index_cast %mul3A_183 : i32 to index
      %get3A_187 = tpu.vector_load %arg4[%get3A_185, %get3A_186] {strides = array<i32>} : memref<20x512xi32, #tpu.memory_space<vmem>>, vector<16xi32>,
      %add3A_188 = arith.addi %mul3A_181, %get3A_187 : vector<16xi32>
      %mul3A_189 = arith.constant 2 : i32
      %mul3A_190 = vector.broadcast %mul3A_189 : i32 to vector<16xi32>
      %mul3A_191 = arith.muli %add3A_188, %mul3A_190 : vector<16xi32>
      %mul3A_192 = arith.constant 16 : i32
      %mul3A_193 = arith.muli %scan3A_8, %mul3A_192 : i32
      %get3A_194 = arith.constant 18 : i32
      %get3A_195 = arith.index_cast %get3A_194 : i32 to index
      %get3A_196 = arith.index_cast %mul3A_193 : i32 to index
      %get3A_197 = tpu.vector_load %arg4[%get3A_195, %get3A_196] {strides = array<i32>} : memref<20x512xi32, #tpu.memory_space<vmem>>, vector<16xi32>,
      %add3A_198 = arith.addi %mul3A_191, %get3A_197 : vector<16xi32>
      %mul3A_199 = arith.constant 2 : i32
      %mul3A_200 = vector.broadcast %mul3A_199 : i32 to vector<16xi32>
      %mul3A_201 = arith.muli %add3A_198, %mul3A_200 : vector<16xi32>
      %mul3A_202 = arith.constant 16 : i32
      %mul3A_203 = arith.muli %scan3A_8, %mul3A_202 : i32
      %get3A_204 = arith.constant 19 : i32
      %get3A_205 = arith.index_cast %get3A_204 : i32 to index
      %get3A_206 = arith.index_cast %mul3A_203 : i32 to index
      %get3A_207 = tpu.vector_load %arg4[%get3A_205, %get3A_206] {strides = array<i32>} : memref<20x512xi32, #tpu.memory_space<vmem>>, vector<16xi32>,
      %add3A_208 = arith.addi %mul3A_201, %get3A_207 : vector<16xi32>
      %mul3A_209 = arith.constant 16 : i32
      %mul3A_210 = arith.muli %scan3A_8, %mul3A_209 : i32
      %swap3A = arith.index_cast %mul3A_210 : i32 to index
      %swap3A_211 = tpu.vector_load %arg5[%swap3A] {strides = array<i32>} : memref<512xi32, #tpu.memory_space<vmem>>, vector<16xi32>,
      tpu.vector_store %arg5[%swap3A], %add3A_208 {strides = array<i32>} : memref<512xi32, #tpu.memory_space<vmem>>, vector<16xi32>,
    }
    %scan3A_7 = arith.constant 32 : i32
    "tpu.region"() ({
      %run_scoped3A = tpu.sem_alloc : memref<!tpu.dma_semaphore, #tpu.memory_space<semaphore_mem>>
      %dma_start3A = tpu.memref_slice %arg3[%mul3A_2] : memref<16384xi32, #tpu.memory_space<hbm>> -> memref<512xi32, #tpu.memory_space<hbm>>
      %dma_start3A_8 = tpu.memref_slice %arg3[%mul3A_2] : memref<16384xi32, #tpu.memory_space<hbm>> -> memref<512xi32, #tpu.memory_space<hbm>>
      tpu.enqueue_dma source(%arg5 : memref<512xi32, #tpu.memory_space<vmem>>) target(%dma_start3A_8 : memref<512xi32, #tpu.memory_space<hbm>>) target_semaphore(%run_scoped3A : memref<!tpu.dma_semaphore, #tpu.memory_space<semaphore_mem>>)
      %dma_wait3A = tpu.memref_slice %arg3[%mul3A_2] : memref<16384xi32, #tpu.memory_space<hbm>> -> memref<512xi32, #tpu.memory_space<hbm>>
      %dma_wait3A_9 = tpu.memref_slice %arg3[%mul3A_2] : memref<16384xi32, #tpu.memory_space<hbm>> -> memref<512xi32, #tpu.memory_space<hbm>>
      tpu.wait_dma2 semaphore(%run_scoped3A : memref<!tpu.dma_semaphore, #tpu.memory_space<semaphore_mem>>) src(%arg5 : memref<512xi32, #tpu.memory_space<vmem>>) dst(%dma_wait3A_9 : memref<512xi32, #tpu.memory_space<hbm>>)
      tpu.yield
    }) : () -> ()
    return
  }
}

#map = affine_map<(d0, d1) -> (0)>
#map1 = affine_map<(d0, d1) -> (0, 0)>
module attributes {stable_mosaic.version = 14 : i64} {
  func.func @_gather_plane(%arg0: i32, %arg1: i32, %arg2: memref<16384xi32, #tpu.memory_space<hbm>>, %arg3: memref<65536x8xf32, #tpu.memory_space<hbm>>, %arg4: memref<65536x8xf32, #tpu.memory_space<hbm>>, %arg5: memref<16384xf32, #tpu.memory_space<hbm>>, %arg6: memref<512xi32, #tpu.memory_space<vmem>>, %arg7: memref<512xi32, #tpu.memory_space<vmem>>, %arg8: memref<512xi32, #tpu.memory_space<vmem>>, %arg9: memref<512x8xf32, #tpu.memory_space<vmem>>, %arg10: memref<512x8xf32, #tpu.memory_space<vmem>>, %arg11: memref<512xf32, #tpu.memory_space<vmem>>, %arg12: memref<!tpu.dma_semaphore, #tpu.memory_space<semaphore_mem>>) attributes {dimension_semantics = [#tpu.dimension_semantics<core_parallel>, #tpu.dimension_semantics<subcore_parallel>], iteration_bounds = array<i64: 2, 16>, scalar_prefetch = 0 : i64, scratch_operands = 7 : i64, tpu.core_type = #tpu.core_type<sc_vector_subcore>, window_params = [{transform_indices = #map}, {transform_indices = #map1}, {transform_indices = #map1}, {transform_indices = #map}]} {
    %mul3A = arith.constant 2 : i32
    %mul3A_0 = arith.muli %arg1, %mul3A : i32
    %add3A = arith.addi %mul3A_0, %arg0 : i32
    %mul3A_1 = arith.constant 512 : i32
    %mul3A_2 = arith.muli %add3A, %mul3A_1 : i32
    "tpu.region"() ({
      %run_scoped3A = tpu.sem_alloc : memref<!tpu.dma_semaphore, #tpu.memory_space<semaphore_mem>>
      %dma_start3A_24 = tpu.memref_slice %arg2[%mul3A_2] : memref<16384xi32, #tpu.memory_space<hbm>> -> memref<512xi32, #tpu.memory_space<hbm>>
      %dma_start3A_25 = tpu.memref_slice %arg2[%mul3A_2] : memref<16384xi32, #tpu.memory_space<hbm>> -> memref<512xi32, #tpu.memory_space<hbm>>
      tpu.enqueue_dma source(%dma_start3A_25 : memref<512xi32, #tpu.memory_space<hbm>>) target(%arg6 : memref<512xi32, #tpu.memory_space<vmem>>) target_semaphore(%run_scoped3A : memref<!tpu.dma_semaphore, #tpu.memory_space<semaphore_mem>>)
      %dma_wait3A_26 = tpu.memref_slice %arg2[%mul3A_2] : memref<16384xi32, #tpu.memory_space<hbm>> -> memref<512xi32, #tpu.memory_space<hbm>>
      %dma_wait3A_27 = tpu.memref_slice %arg2[%mul3A_2] : memref<16384xi32, #tpu.memory_space<hbm>> -> memref<512xi32, #tpu.memory_space<hbm>>
      tpu.wait_dma2 semaphore(%run_scoped3A : memref<!tpu.dma_semaphore, #tpu.memory_space<semaphore_mem>>) src(%dma_wait3A_27 : memref<512xi32, #tpu.memory_space<hbm>>) dst(%arg6 : memref<512xi32, #tpu.memory_space<vmem>>)
      tpu.yield
    }) : () -> ()
    %iota3A = tpu.iota {dimensions = array<i32: 0>} : vector<16xi32>
    %scan3A = arith.constant 0 : i32
    %scan3A_3 = arith.constant 0 : i32
    %scan3A_4 = arith.constant 32 : i32
    %scan3A_5 = arith.addi %scan3A_3, %scan3A_4 : i32
    %scan3A_6 = arith.constant 1 : i32
    scf.for %scan3A_24 = %scan3A_3 to %scan3A_5 step %scan3A_6  : i32 {
      %mul3A_25 = arith.constant 16 : i32
      %mul3A_26 = arith.muli %scan3A_24, %mul3A_25 : i32
      %get3A = arith.index_cast %mul3A_26 : i32 to index
      %get3A_27 = tpu.vector_load %arg6[%get3A] {strides = array<i32>} : memref<512xi32, #tpu.memory_space<vmem>>, vector<16xi32>,
      %shift_right_arithmetic3A = arith.constant 3 : i32
      %shift_right_arithmetic3A_28 = vector.broadcast %shift_right_arithmetic3A : i32 to vector<16xi32>
      %shift_right_arithmetic3A_29 = arith.shrsi %get3A_27, %shift_right_arithmetic3A_28 : vector<16xi32>
      %and3A = arith.constant 65535 : i32
      %and3A_30 = vector.broadcast %and3A : i32 to vector<16xi32>
      %and3A_31 = arith.andi %shift_right_arithmetic3A_29, %and3A_30 : vector<16xi32>
      %mul3A_32 = arith.constant 16 : i32
      %mul3A_33 = arith.muli %scan3A_24, %mul3A_32 : i32
      %swap3A = arith.index_cast %mul3A_33 : i32 to index
      %swap3A_34 = tpu.vector_load %arg7[%swap3A] {strides = array<i32>} : memref<512xi32, #tpu.memory_space<vmem>>, vector<16xi32>,
      tpu.vector_store %arg7[%swap3A], %and3A_31 {strides = array<i32>} : memref<512xi32, #tpu.memory_space<vmem>>, vector<16xi32>,
      %sub3A = arith.constant 65536 : i32
      %sub3A_35 = vector.broadcast %sub3A : i32 to vector<16xi32>
      %sub3A_36 = arith.subi %shift_right_arithmetic3A_29, %sub3A_35 : vector<16xi32>
      %and3A_37 = arith.constant 65535 : i32
      %and3A_38 = vector.broadcast %and3A_37 : i32 to vector<16xi32>
      %and3A_39 = arith.andi %sub3A_36, %and3A_38 : vector<16xi32>
      %mul3A_40 = arith.constant 16 : i32
      %mul3A_41 = arith.muli %scan3A_24, %mul3A_40 : i32
      %swap3A_42 = arith.index_cast %mul3A_41 : i32 to index
      %swap3A_43 = tpu.vector_load %arg8[%swap3A_42] {strides = array<i32>} : memref<512xi32, #tpu.memory_space<vmem>>, vector<16xi32>,
      tpu.vector_store %arg8[%swap3A_42], %and3A_39 {strides = array<i32>} : memref<512xi32, #tpu.memory_space<vmem>>, vector<16xi32>,
    }
    %scan3A_7 = arith.constant 32 : i32
    %dma_start3A = arith.constant 0 : i32
    %dma_start3A_8 = arith.constant 0 : i32
    %dma_start3A_9 = tpu.memref_slice %arg3[%dma_start3A, %dma_start3A_8] : memref<65536x8xf32, #tpu.memory_space<hbm>> -> memref<65536x8xf32, #tpu.memory_space<hbm>>
    tpu.enqueue_indirect_dma source(%dma_start3A_9 : memref<65536x8xf32, #tpu.memory_space<hbm>>) target(%arg9 : memref<512x8xf32, #tpu.memory_space<vmem>>) offsets(%arg7 : memref<512xi32, #tpu.memory_space<vmem>>) semaphore(%arg12 : memref<!tpu.dma_semaphore, #tpu.memory_space<semaphore_mem>>)
    %dma_start3A_10 = arith.constant 0 : i32
    %dma_start3A_11 = arith.constant 0 : i32
    %dma_start3A_12 = tpu.memref_slice %arg4[%dma_start3A_10, %dma_start3A_11] : memref<65536x8xf32, #tpu.memory_space<hbm>> -> memref<65536x8xf32, #tpu.memory_space<hbm>>
    tpu.enqueue_indirect_dma source(%dma_start3A_12 : memref<65536x8xf32, #tpu.memory_space<hbm>>) target(%arg10 : memref<512x8xf32, #tpu.memory_space<vmem>>) offsets(%arg8 : memref<512xi32, #tpu.memory_space<vmem>>) semaphore(%arg12 : memref<!tpu.dma_semaphore, #tpu.memory_space<semaphore_mem>>)
    %dma_wait3A = arith.constant 0 : i32
    %dma_wait3A_13 = arith.constant 0 : i32
    %dma_wait3A_14 = tpu.memref_slice %arg3[%dma_wait3A, %dma_wait3A_13] : memref<65536x8xf32, #tpu.memory_space<hbm>> -> memref<65536x8xf32, #tpu.memory_space<hbm>>
    tpu.wait_indirect_dma semaphore(%arg12 : memref<!tpu.dma_semaphore, #tpu.memory_space<semaphore_mem>>) src(%dma_wait3A_14 : memref<65536x8xf32, #tpu.memory_space<hbm>>) dst(%arg9 : memref<512x8xf32, #tpu.memory_space<vmem>>)
    %dma_wait3A_15 = arith.constant 0 : i32
    %dma_wait3A_16 = arith.constant 0 : i32
    %dma_wait3A_17 = tpu.memref_slice %arg4[%dma_wait3A_15, %dma_wait3A_16] : memref<65536x8xf32, #tpu.memory_space<hbm>> -> memref<65536x8xf32, #tpu.memory_space<hbm>>
    tpu.wait_indirect_dma semaphore(%arg12 : memref<!tpu.dma_semaphore, #tpu.memory_space<semaphore_mem>>) src(%dma_wait3A_17 : memref<65536x8xf32, #tpu.memory_space<hbm>>) dst(%arg10 : memref<512x8xf32, #tpu.memory_space<vmem>>)
    %scan3A_18 = arith.constant 0 : i32
    %scan3A_19 = arith.constant 0 : i32
    %scan3A_20 = arith.constant 32 : i32
    %scan3A_21 = arith.addi %scan3A_19, %scan3A_20 : i32
    %scan3A_22 = arith.constant 1 : i32
    scf.for %scan3A_24 = %scan3A_19 to %scan3A_21 step %scan3A_22  : i32 {
      %mul3A_25 = arith.constant 16 : i32
      %mul3A_26 = arith.muli %scan3A_24, %mul3A_25 : i32
      %add3A_27 = vector.broadcast %mul3A_26 : i32 to vector<16xi32>
      %add3A_28 = arith.addi %add3A_27, %iota3A : vector<16xi32>
      %mul3A_29 = arith.constant 16 : i32
      %mul3A_30 = arith.muli %scan3A_24, %mul3A_29 : i32
      %get3A = arith.index_cast %mul3A_30 : i32 to index
      %get3A_31 = tpu.vector_load %arg6[%get3A] {strides = array<i32>} : memref<512xi32, #tpu.memory_space<vmem>>, vector<16xi32>,
      %and3A = arith.constant 7 : i32
      %and3A_32 = vector.broadcast %and3A : i32 to vector<16xi32>
      %and3A_33 = arith.andi %get3A_31, %and3A_32 : vector<16xi32>
      %gather3A = tpu.vector_load_idx %arg9[%add3A_28, %and3A_33] : memref<512x8xf32, #tpu.memory_space<vmem>>[vector<16xi32>, vector<16xi32>], vector<16xf32>,
      %gather3A_34 = tpu.vector_load_idx %arg10[%add3A_28, %and3A_33] : memref<512x8xf32, #tpu.memory_space<vmem>>[vector<16xi32>, vector<16xi32>], vector<16xf32>,
      %ge3A = arith.constant 524288 : i32
      %ge3A_35 = vector.broadcast %ge3A : i32 to vector<16xi32>
      %ge3A_36 = arith.cmpi sge, %get3A_31, %ge3A_35 : vector<16xi32>
      %select_n3A = arith.select %ge3A_36, %gather3A_34, %gather3A : vector<16xi1>, vector<16xf32>
      %mul3A_37 = arith.constant 16 : i32
      %mul3A_38 = arith.muli %scan3A_24, %mul3A_37 : i32
      %swap3A = arith.index_cast %mul3A_38 : i32 to index
      %swap3A_39 = tpu.vector_load %arg11[%swap3A] {strides = array<i32>} : memref<512xf32, #tpu.memory_space<vmem>>, vector<16xf32>,
      tpu.vector_store %arg11[%swap3A], %select_n3A {strides = array<i32>} : memref<512xf32, #tpu.memory_space<vmem>>, vector<16xf32>,
    }
    %scan3A_23 = arith.constant 32 : i32
    "tpu.region"() ({
      %run_scoped3A = tpu.sem_alloc : memref<!tpu.dma_semaphore, #tpu.memory_space<semaphore_mem>>
      %dma_start3A_24 = tpu.memref_slice %arg5[%mul3A_2] : memref<16384xf32, #tpu.memory_space<hbm>> -> memref<512xf32, #tpu.memory_space<hbm>>
      %dma_start3A_25 = tpu.memref_slice %arg5[%mul3A_2] : memref<16384xf32, #tpu.memory_space<hbm>> -> memref<512xf32, #tpu.memory_space<hbm>>
      tpu.enqueue_dma source(%arg11 : memref<512xf32, #tpu.memory_space<vmem>>) target(%dma_start3A_25 : memref<512xf32, #tpu.memory_space<hbm>>) target_semaphore(%run_scoped3A : memref<!tpu.dma_semaphore, #tpu.memory_space<semaphore_mem>>)
      %dma_wait3A_26 = tpu.memref_slice %arg5[%mul3A_2] : memref<16384xf32, #tpu.memory_space<hbm>> -> memref<512xf32, #tpu.memory_space<hbm>>
      %dma_wait3A_27 = tpu.memref_slice %arg5[%mul3A_2] : memref<16384xf32, #tpu.memory_space<hbm>> -> memref<512xf32, #tpu.memory_space<hbm>>
      tpu.wait_dma2 semaphore(%run_scoped3A : memref<!tpu.dma_semaphore, #tpu.memory_space<semaphore_mem>>) src(%arg11 : memref<512xf32, #tpu.memory_space<vmem>>) dst(%dma_wait3A_27 : memref<512xf32, #tpu.memory_space<hbm>>)
      tpu.yield
    }) : () -> ()
    return
  }
}

#map = affine_map<(d0, d1) -> (0)>
#map1 = affine_map<(d0, d1) -> (0, 0)>
module attributes {stable_mosaic.version = 14 : i64} {
  func.func @_gather_plane(%arg0: i32, %arg1: i32, %arg2: memref<16384xi32, #tpu.memory_space<hbm>>, %arg3: memref<65536x8xf32, #tpu.memory_space<hbm>>, %arg4: memref<65536x8xf32, #tpu.memory_space<hbm>>, %arg5: memref<16384xf32, #tpu.memory_space<hbm>>, %arg6: memref<512xi32, #tpu.memory_space<vmem>>, %arg7: memref<512xi32, #tpu.memory_space<vmem>>, %arg8: memref<512xi32, #tpu.memory_space<vmem>>, %arg9: memref<512x8xf32, #tpu.memory_space<vmem>>, %arg10: memref<512x8xf32, #tpu.memory_space<vmem>>, %arg11: memref<512xf32, #tpu.memory_space<vmem>>, %arg12: memref<!tpu.dma_semaphore, #tpu.memory_space<semaphore_mem>>) attributes {dimension_semantics = [#tpu.dimension_semantics<core_parallel>, #tpu.dimension_semantics<subcore_parallel>], iteration_bounds = array<i64: 2, 16>, scalar_prefetch = 0 : i64, scratch_operands = 7 : i64, tpu.core_type = #tpu.core_type<sc_vector_subcore>, window_params = [{transform_indices = #map}, {transform_indices = #map1}, {transform_indices = #map1}, {transform_indices = #map}]} {
    %mul3A = arith.constant 2 : i32
    %mul3A_0 = arith.muli %arg1, %mul3A : i32
    %add3A = arith.addi %mul3A_0, %arg0 : i32
    %mul3A_1 = arith.constant 512 : i32
    %mul3A_2 = arith.muli %add3A, %mul3A_1 : i32
    "tpu.region"() ({
      %run_scoped3A = tpu.sem_alloc : memref<!tpu.dma_semaphore, #tpu.memory_space<semaphore_mem>>
      %dma_start3A_24 = tpu.memref_slice %arg2[%mul3A_2] : memref<16384xi32, #tpu.memory_space<hbm>> -> memref<512xi32, #tpu.memory_space<hbm>>
      %dma_start3A_25 = tpu.memref_slice %arg2[%mul3A_2] : memref<16384xi32, #tpu.memory_space<hbm>> -> memref<512xi32, #tpu.memory_space<hbm>>
      tpu.enqueue_dma source(%dma_start3A_25 : memref<512xi32, #tpu.memory_space<hbm>>) target(%arg6 : memref<512xi32, #tpu.memory_space<vmem>>) target_semaphore(%run_scoped3A : memref<!tpu.dma_semaphore, #tpu.memory_space<semaphore_mem>>)
      %dma_wait3A_26 = tpu.memref_slice %arg2[%mul3A_2] : memref<16384xi32, #tpu.memory_space<hbm>> -> memref<512xi32, #tpu.memory_space<hbm>>
      %dma_wait3A_27 = tpu.memref_slice %arg2[%mul3A_2] : memref<16384xi32, #tpu.memory_space<hbm>> -> memref<512xi32, #tpu.memory_space<hbm>>
      tpu.wait_dma2 semaphore(%run_scoped3A : memref<!tpu.dma_semaphore, #tpu.memory_space<semaphore_mem>>) src(%dma_wait3A_27 : memref<512xi32, #tpu.memory_space<hbm>>) dst(%arg6 : memref<512xi32, #tpu.memory_space<vmem>>)
      tpu.yield
    }) : () -> ()
    %iota3A = tpu.iota {dimensions = array<i32: 0>} : vector<16xi32>
    %scan3A = arith.constant 0 : i32
    %scan3A_3 = arith.constant 0 : i32
    %scan3A_4 = arith.constant 32 : i32
    %scan3A_5 = arith.addi %scan3A_3, %scan3A_4 : i32
    %scan3A_6 = arith.constant 1 : i32
    scf.for %scan3A_24 = %scan3A_3 to %scan3A_5 step %scan3A_6  : i32 {
      %mul3A_25 = arith.constant 16 : i32
      %mul3A_26 = arith.muli %scan3A_24, %mul3A_25 : i32
      %get3A = arith.index_cast %mul3A_26 : i32 to index
      %get3A_27 = tpu.vector_load %arg6[%get3A] {strides = array<i32>} : memref<512xi32, #tpu.memory_space<vmem>>, vector<16xi32>,
      %shift_right_arithmetic3A = arith.constant 3 : i32
      %shift_right_arithmetic3A_28 = vector.broadcast %shift_right_arithmetic3A : i32 to vector<16xi32>
      %shift_right_arithmetic3A_29 = arith.shrsi %get3A_27, %shift_right_arithmetic3A_28 : vector<16xi32>
      %and3A = arith.constant 65535 : i32
      %and3A_30 = vector.broadcast %and3A : i32 to vector<16xi32>
      %and3A_31 = arith.andi %shift_right_arithmetic3A_29, %and3A_30 : vector<16xi32>
      %mul3A_32 = arith.constant 16 : i32
      %mul3A_33 = arith.muli %scan3A_24, %mul3A_32 : i32
      %swap3A = arith.index_cast %mul3A_33 : i32 to index
      %swap3A_34 = tpu.vector_load %arg7[%swap3A] {strides = array<i32>} : memref<512xi32, #tpu.memory_space<vmem>>, vector<16xi32>,
      tpu.vector_store %arg7[%swap3A], %and3A_31 {strides = array<i32>} : memref<512xi32, #tpu.memory_space<vmem>>, vector<16xi32>,
      %sub3A = arith.constant 65536 : i32
      %sub3A_35 = vector.broadcast %sub3A : i32 to vector<16xi32>
      %sub3A_36 = arith.subi %shift_right_arithmetic3A_29, %sub3A_35 : vector<16xi32>
      %and3A_37 = arith.constant 65535 : i32
      %and3A_38 = vector.broadcast %and3A_37 : i32 to vector<16xi32>
      %and3A_39 = arith.andi %sub3A_36, %and3A_38 : vector<16xi32>
      %mul3A_40 = arith.constant 16 : i32
      %mul3A_41 = arith.muli %scan3A_24, %mul3A_40 : i32
      %swap3A_42 = arith.index_cast %mul3A_41 : i32 to index
      %swap3A_43 = tpu.vector_load %arg8[%swap3A_42] {strides = array<i32>} : memref<512xi32, #tpu.memory_space<vmem>>, vector<16xi32>,
      tpu.vector_store %arg8[%swap3A_42], %and3A_39 {strides = array<i32>} : memref<512xi32, #tpu.memory_space<vmem>>, vector<16xi32>,
    }
    %scan3A_7 = arith.constant 32 : i32
    %dma_start3A = arith.constant 0 : i32
    %dma_start3A_8 = arith.constant 0 : i32
    %dma_start3A_9 = tpu.memref_slice %arg3[%dma_start3A, %dma_start3A_8] : memref<65536x8xf32, #tpu.memory_space<hbm>> -> memref<65536x8xf32, #tpu.memory_space<hbm>>
    tpu.enqueue_indirect_dma source(%dma_start3A_9 : memref<65536x8xf32, #tpu.memory_space<hbm>>) target(%arg9 : memref<512x8xf32, #tpu.memory_space<vmem>>) offsets(%arg7 : memref<512xi32, #tpu.memory_space<vmem>>) semaphore(%arg12 : memref<!tpu.dma_semaphore, #tpu.memory_space<semaphore_mem>>)
    %dma_start3A_10 = arith.constant 0 : i32
    %dma_start3A_11 = arith.constant 0 : i32
    %dma_start3A_12 = tpu.memref_slice %arg4[%dma_start3A_10, %dma_start3A_11] : memref<65536x8xf32, #tpu.memory_space<hbm>> -> memref<65536x8xf32, #tpu.memory_space<hbm>>
    tpu.enqueue_indirect_dma source(%dma_start3A_12 : memref<65536x8xf32, #tpu.memory_space<hbm>>) target(%arg10 : memref<512x8xf32, #tpu.memory_space<vmem>>) offsets(%arg8 : memref<512xi32, #tpu.memory_space<vmem>>) semaphore(%arg12 : memref<!tpu.dma_semaphore, #tpu.memory_space<semaphore_mem>>)
    %dma_wait3A = arith.constant 0 : i32
    %dma_wait3A_13 = arith.constant 0 : i32
    %dma_wait3A_14 = tpu.memref_slice %arg3[%dma_wait3A, %dma_wait3A_13] : memref<65536x8xf32, #tpu.memory_space<hbm>> -> memref<65536x8xf32, #tpu.memory_space<hbm>>
    tpu.wait_indirect_dma semaphore(%arg12 : memref<!tpu.dma_semaphore, #tpu.memory_space<semaphore_mem>>) src(%dma_wait3A_14 : memref<65536x8xf32, #tpu.memory_space<hbm>>) dst(%arg9 : memref<512x8xf32, #tpu.memory_space<vmem>>)
    %dma_wait3A_15 = arith.constant 0 : i32
    %dma_wait3A_16 = arith.constant 0 : i32
    %dma_wait3A_17 = tpu.memref_slice %arg4[%dma_wait3A_15, %dma_wait3A_16] : memref<65536x8xf32, #tpu.memory_space<hbm>> -> memref<65536x8xf32, #tpu.memory_space<hbm>>
    tpu.wait_indirect_dma semaphore(%arg12 : memref<!tpu.dma_semaphore, #tpu.memory_space<semaphore_mem>>) src(%dma_wait3A_17 : memref<65536x8xf32, #tpu.memory_space<hbm>>) dst(%arg10 : memref<512x8xf32, #tpu.memory_space<vmem>>)
    %scan3A_18 = arith.constant 0 : i32
    %scan3A_19 = arith.constant 0 : i32
    %scan3A_20 = arith.constant 32 : i32
    %scan3A_21 = arith.addi %scan3A_19, %scan3A_20 : i32
    %scan3A_22 = arith.constant 1 : i32
    scf.for %scan3A_24 = %scan3A_19 to %scan3A_21 step %scan3A_22  : i32 {
      %mul3A_25 = arith.constant 16 : i32
      %mul3A_26 = arith.muli %scan3A_24, %mul3A_25 : i32
      %add3A_27 = vector.broadcast %mul3A_26 : i32 to vector<16xi32>
      %add3A_28 = arith.addi %add3A_27, %iota3A : vector<16xi32>
      %mul3A_29 = arith.constant 16 : i32
      %mul3A_30 = arith.muli %scan3A_24, %mul3A_29 : i32
      %get3A = arith.index_cast %mul3A_30 : i32 to index
      %get3A_31 = tpu.vector_load %arg6[%get3A] {strides = array<i32>} : memref<512xi32, #tpu.memory_space<vmem>>, vector<16xi32>,
      %and3A = arith.constant 7 : i32
      %and3A_32 = vector.broadcast %and3A : i32 to vector<16xi32>
      %and3A_33 = arith.andi %get3A_31, %and3A_32 : vector<16xi32>
      %gather3A = tpu.vector_load_idx %arg9[%add3A_28, %and3A_33] : memref<512x8xf32, #tpu.memory_space<vmem>>[vector<16xi32>, vector<16xi32>], vector<16xf32>,
      %gather3A_34 = tpu.vector_load_idx %arg10[%add3A_28, %and3A_33] : memref<512x8xf32, #tpu.memory_space<vmem>>[vector<16xi32>, vector<16xi32>], vector<16xf32>,
      %ge3A = arith.constant 524288 : i32
      %ge3A_35 = vector.broadcast %ge3A : i32 to vector<16xi32>
      %ge3A_36 = arith.cmpi sge, %get3A_31, %ge3A_35 : vector<16xi32>
      %select_n3A = arith.select %ge3A_36, %gather3A_34, %gather3A : vector<16xi1>, vector<16xf32>
      %mul3A_37 = arith.constant 16 : i32
      %mul3A_38 = arith.muli %scan3A_24, %mul3A_37 : i32
      %swap3A = arith.index_cast %mul3A_38 : i32 to index
      %swap3A_39 = tpu.vector_load %arg11[%swap3A] {strides = array<i32>} : memref<512xf32, #tpu.memory_space<vmem>>, vector<16xf32>,
      tpu.vector_store %arg11[%swap3A], %select_n3A {strides = array<i32>} : memref<512xf32, #tpu.memory_space<vmem>>, vector<16xf32>,
    }
    %scan3A_23 = arith.constant 32 : i32
    "tpu.region"() ({
      %run_scoped3A = tpu.sem_alloc : memref<!tpu.dma_semaphore, #tpu.memory_space<semaphore_mem>>
      %dma_start3A_24 = tpu.memref_slice %arg5[%mul3A_2] : memref<16384xf32, #tpu.memory_space<hbm>> -> memref<512xf32, #tpu.memory_space<hbm>>
      %dma_start3A_25 = tpu.memref_slice %arg5[%mul3A_2] : memref<16384xf32, #tpu.memory_space<hbm>> -> memref<512xf32, #tpu.memory_space<hbm>>
      tpu.enqueue_dma source(%arg11 : memref<512xf32, #tpu.memory_space<vmem>>) target(%dma_start3A_25 : memref<512xf32, #tpu.memory_space<hbm>>) target_semaphore(%run_scoped3A : memref<!tpu.dma_semaphore, #tpu.memory_space<semaphore_mem>>)
      %dma_wait3A_26 = tpu.memref_slice %arg5[%mul3A_2] : memref<16384xf32, #tpu.memory_space<hbm>> -> memref<512xf32, #tpu.memory_space<hbm>>
      %dma_wait3A_27 = tpu.memref_slice %arg5[%mul3A_2] : memref<16384xf32, #tpu.memory_space<hbm>> -> memref<512xf32, #tpu.memory_space<hbm>>
      tpu.wait_dma2 semaphore(%run_scoped3A : memref<!tpu.dma_semaphore, #tpu.memory_space<semaphore_mem>>) src(%arg11 : memref<512xf32, #tpu.memory_space<vmem>>) dst(%dma_wait3A_27 : memref<512xf32, #tpu.memory_space<hbm>>)
      tpu.yield
    }) : () -> ()
    return
  }
}

</mosaic_0001>

<sc_bundles>
// kernel: kernel.11.cloned.1.call-start
scs
__scs_entry_jumppad:
0x0: {  	(pc) =	sbr.rel $0x88, $3  }
0x1: {  	(tag) =	ssettag $0x0;
	lr =	simm.s32 $0x1  }
0x2: {  	[smem:$0x3F9F] =	sst lr;
	_ =	strace $0xD0000000  }
0x3: {  	_ = 	snop  }
0x4: {  	_ = 	snop  }
0x5: {  	_ = 	snop  }
0x6: {  	_ = 	snop  }
0x7: {  	_ = 	snop  }
__scs_overlays_trampoline_lowered:
0x8: {  	[smem:$0x3FAE] =	sst s0  }
0x9: {  	[smem:$0x3FAF] =	sst s1  }
0xa: {  	[smem:$0x3FB0] =	sst s2  }
0xb: {  	[smem:$0x3FB1] =	sst s3  }
0xc: {  	[smem:$0x3FB2] =	sst s4  }
0xd: {  	[smem:$0x3FB3] =	sst s5  }
0xe: {  	[smem:$0x3FB4] =	sst s6  }
0xf: {  	[smem:$0x3FB5] =	sst s7  }
0x10: {  	[smem:$0x3FB6] =	sst s8  }
0x11: {  	[smem:$0x3FB7] =	sst s9;
	s0 =	simm.s32 @!p0 $0x0  }
0x12: {  	s1 =	sld [smem:$0x3F9D];
	s0 =	simm.s32 @p0 $0x1  }
0x13: {  	[smem:$0x3FB8] =	sst s0;
	s0 =	simm.s32 @!p1 $0x0  }
0x14: {  	s2 =	sld [smem:$0x3F9C];
	s0 =	simm.s32 @p1 $0x1  }
0x15: {  	[smem:$0x3FB9] =	sst s0;
	s0 =	simm.s32 @!p2 $0x0  }
0x16: {  	s3 =	sld [smem:$0x3FDB];
	s0 =	simm.s32 @p2 $0x1  }
0x17: {  	s4 =	simm.s32 $0x1BF5;
	[smem:$0x3FBB] =	sst s0  }
0x18: {  	s0 =	sld [smem:$0x3F9E];
	_ =	swait.ge [sflag:s4], $0x0  }
0x19: {  	s7 =	sld [smem:$0x3F9F]  }
0x1a: {  	s8 =	sadd.s32 $0xFFFFE003, lr  }
0x1b: {  	s9 =	sadd.s32 $0xFFFFFEF7, lr;
	s5 =	simm.s32 $0xFFFFFFFF;
	p2 =	slt.u32 s8, $0xFFFFF086  }
0x1c: {  	p1 =	slt.u32 s9, $0xF7A;
	s5 =	simm.s32 @!p2 $0x0  }
0x1d: {  	s5 =	simm.s32 @p1 $0x1;
	p0 =	seq.s32 s7, s2  }
0x1e: {  	s7 =	smul.u32 @!p0 $0xF7A, s2;
	p2 =	seq.s32 @!p0 s5, $0x0  }
0x1f: {  	s9 =	smul.u32 $0xF7A, s1;
	s8 =	simm.s32 @!p0 $0x1BF5;
	p2 =	por !p2, p0  }
0x20: {  	[sflag:s8] =	ssyncset.s32 @!p0 $0xFFFFF086;
	s6 =	sadd.s32 @!p0 s3, s7;
	s7 =	simm.s32 @!p0 $0x108  }
0x21: {  	s3 =	sadd.s32 s3, s9;
	s6 =	sadd.s32 @!p0 $0x88, s6;
	s7 =	simm.s32 @p2 $0x1082  }
0x22: {  	[simem:s7], [sflag:s8] =	dma.local @!p0 [hbm:s6], $0xF7A  }
0x23: {  	s9 =	sor.u32 $0xD0000000, s2;
	s6 =	simm.s32 $0x108;
	_ =	swait.ge @!p0 [sflag:s8], $0x0  }
0x24: {  	s3 =	sadd.s32 $0x88, s3;
	s6 =	simm.s32 @!p1 $0x1082;
	[sflag:s4] =	ssyncset.s32 $0xFFFFF086  }
0x25: {  	[simem:s6], [sflag:s4] =	dma.local [hbm:s3], $0xF7A  }
0x26: {  	[smem:$0x3F9F] =	sst s1;
	(tag) =	ssettag s2;
	_ =	strace s9  }
0x27: {  	s1 =	sld [smem:$0x3FAF]  }
0x28: {  	s2 =	sld [smem:$0x3FB0]  }
0x29: {  	s4 =	sld [smem:$0x3FB2]  }
0x2a: {  	p0 =	seq.s32 s5, $0x0;
	s5 =	sld [smem:$0x3FB3]  }
0x2b: {  	s6 =	sld [smem:$0x3FB4]  }
0x2c: {  	s7 =	sld [smem:$0x3FB5]  }
0x2d: {  	s3 =	simm.s32 $0x108;
	s8 =	sld [smem:$0x3FB6]  }
0x2e: {  	s3 =	simm.s32 @!p0 $0x1082;
	s9 =	sld [smem:$0x3FB7]  }
0x2f: {  	lr =	sadd.s32 s0, s3;
	s0 =	sld [smem:$0x3FAE]  }
0x30: {  	s3 =	sld [smem:$0x3FB1]  }
0x31: {  	[smem:$0x3FBA] =	sst s10  }
0x32: {  	s10 =	sld [smem:$0x3FB8];
	_ =	sdelay $0x3  }
0x33: {  	p0 =	seq.s32 s10, $0x1;
	s10 =	sld [smem:$0x3FBA];
	_ =	sdelay $0x3  }
0x34: {  	[smem:$0x3FBA] =	sst s10  }
0x35: {  	s10 =	sld [smem:$0x3FB9];
	_ =	sdelay $0x3  }
0x36: {  	p1 =	seq.s32 s10, $0x1;
	s10 =	sld [smem:$0x3FBA];
	_ =	sdelay $0x3  }
0x37: {  	[smem:$0x3FBA] =	sst s10  }
0x38: {  	s10 =	sld [smem:$0x3FBB]  }
0x39: {  	_ = 	snop;
	(pc) =	sbr.ind lr, $3  }
0x3a: {  	_ = 	snop  }
0x3b: {  	_ = 	snop  }
0x3c: {  	p2 =	seq.s32 s10, $0x1;
	s10 =	sld [smem:$0x3FBA]  }
0x3d: {  	_ =	shalt  }
0x3e: {  	_ =	shalt  }
0x3f: {  	_ =	shalt  }
0x40: {  	_ =	shalt  }
0x41: {  	_ =	shalt  }
0x42: {  	_ =	shalt  }
0x43: {  	_ =	shalt  }
0x44: {  	_ =	shalt  }
0x45: {  	_ =	shalt  }
0x46: {  	_ =	shalt  }
0x47: {  	_ =	shalt  }
0x48: {  	_ =	shalt  }
0x49: {  	_ =	shalt  }
0x4a: {  	_ =	shalt  }
0x4b: {  	_ =	shalt  }
0x4c: {  	_ =	shalt  }
0x4d: {  	_ =	shalt  }
0x4e: {  	_ =	shalt  }
0x4f: {  	_ =	shalt  }
0x50: {  	_ =	shalt  }
0x51: {  	_ =	shalt  }
0x52: {  	_ =	shalt  }
0x53: {  	_ =	shalt  }
0x54: {  	_ =	shalt  }
0x55: {  	_ =	shalt  }
0x56: {  	_ =	shalt  }
0x57: {  	_ =	shalt  }
0x58: {  	_ =	shalt  }
0x59: {  	_ =	shalt  }
0x5a: {  	_ =	shalt  }
0x5b: {  	_ =	shalt  }
0x5c: {  	_ =	shalt  }
0x5d: {  	_ =	shalt  }
0x5e: {  	_ =	shalt  }
0x5f: {  	_ =	shalt  }
0x60: {  	_ =	shalt  }
0x61: {  	_ =	shalt  }
0x62: {  	_ =	shalt  }
0x63: {  	_ =	shalt  }
0x64: {  	_ =	shalt  }
0x65: {  	_ =	shalt  }
0x66: {  	_ =	shalt  }
0x67: {  	_ =	shalt  }
0x68: {  	_ =	shalt  }
0x69: {  	_ =	shalt  }
0x6a: {  	_ =	shalt  }
0x6b: {  	_ =	shalt  }
0x6c: {  	_ =	shalt  }
0x6d: {  	_ =	shalt  }
0x6e: {  	_ =	shalt  }
0x6f: {  	_ =	shalt  }
0x70: {  	_ =	shalt  }
0x71: {  	_ =	shalt  }
0x72: {  	_ =	shalt  }
0x73: {  	_ =	shalt  }
0x74: {  	_ =	shalt  }
0x75: {  	_ =	shalt  }
0x76: {  	_ =	shalt  }
0x77: {  	_ =	shalt  }
0x78: {  	_ =	shalt  }
0x79: {  	_ =	shalt  }
0x7a: {  	_ =	shalt  }
0x7b: {  	_ =	shalt  }
0x7c: {  	_ =	shalt  }
0x7d: {  	_ =	shalt  }
0x7e: {  	_ =	shalt  }
0x7f: {  	_ =	shalt  }
0x80: {  	_ =	shalt  }
0x81: {  	_ =	shalt  }
0x82: {  	_ =	shalt  }
0x83: {  	_ =	shalt  }
0x84: {  	_ =	shalt  }
0x85: {  	_ =	shalt  }
0x86: {  	_ =	shalt  }
0x87: {  	_ =	shalt  }
.Lfunc_end0:
.L_simem_size_0:
called_computation.2_lowered:
.L_overlay_start_0:
0x88: {  	s2 =	sld [smem:$0x3FD9]  }
0x89: {  	s3 =	sld [smem:$0x3FFE];
	_ =	sdelay $0x1  }
0x8a: {  	s1 =	srdreg.scid  }
0x8b: {  	s0 =	sand.u32 $0x1, s1  }
0x8c: {  	s17 =	sshll.u32 s0, $0xA;
	s2 =	sadd.s32 s3, s2  }
0x8d: {  	s2 =	sadd.s32 s2, s17  }
0x8e: {  	[smem:$0x3FC6] =	sst s2  }
0x8f: {  	_ = 	snop  }
0x90: {  	s2 =	sld [smem:$0x3FD0];
	(tm) =	ssettm $0x1  }
0x91: {  	s18 =	sld [smem:$0x3FFB];
	_ =	sdelay $0x3  }
0x92: {  	_ =	strace s18  }
0x93: {  	s3 =	sld [smem:$0x3FFC];
	_ =	sdelay $0x3  }
0x94: {  	_ =	strace s3  }
0x95: {  	s3 =	sld [smem:$0x3FFD];
	_ =	sdelay $0x3  }
0x96: {  	_ =	strace s3  }
0x97: {  	_ =	strace $0x8FFFFFFF  }
0x98: {  	s19 =	sld [smem:$0x3FDB];
	_ =	sdelay $0x1  }
0x99: {  	s4 =	simm.s32 $_scs_section_size  }
0x9a: {  	s5 =	simm.s32 $_size__tile_overlayer_lowered;
	s6 =	simm.s32 $_tile_overlayer_lowered  }
0x9b: {  	s22 =	simm.s32 $0x1BFF;
	s21 =	sshll.u32 s6, $0x1;
	s3 =	sadd.s32 s4, s19  }
0x9c: {  	s7 =	simm.s32 $0x0;
	s20 =	sshll.u32 s5, $0x1;
	s5 =	sadd.s32 s21, s3  }
0x9d: {  	[timem:s7], [sflag:s22] =	dma.local [hbm:s5], s20  }
0x9e: {  	_ =	swait.ge [sflag:s22], s20  }
0x9f: {  	s4 =	ssub.s32 $0x0, s20;
	[sflag:s22] =	ssyncset.done $0x0  }
0xa0: {  	[sflag:s22] =	ssyncadd.s32 s4;
	_ =	sdelay $0x1  }
0xa1: {  	s23 =	simm.s32 $0x1B8B  }
0xa2: {  	_ =	swait.ge [sflag:s23], $0x1  }
0xa3: {  	[sflag:s23] =	ssyncset.done $0x0  }
0xa4: {  	s25 =	simm.s32 $0x1B8E;
	s24 =	sld [smem:$0x3FFE];
	[sflag:s23] =	ssyncadd.s32 $0xFFFFFFFF  }
0xa5: {  	s26 =	simm.s32 $execute0_lowered;
	[smem:$0x3FD2] =	sst s25  }
0xa6: {  	s5 =	sshll.u32 s26, $0x1;
	_ =	strace $0x80000049;
	[dreg:$0x1] =	wrdreg $0xFFFFFFFF  }
0xa7: {  	s28 =	simm.s32 $_size_execute0_lowered;
	s3 =	sadd.s32 s3, s5;
	[dreg:$0x0] =	wrdreg $0x0  }
0xa8: {  	s5 =	sshll.u32 s28, $0x1;
	[dreg:$0x2] =	wrdreg s3  }
0xa9: {  	[dreg:$0x3] =	wrdreg s5  }
0xaa: {  	[dreg:$0x4] =	wrdreg $0xC0  }
0xab: {  	_ =	task [dreg:s7], $0x5FFFF  }
0xac: {  	[dreg:$0x1] =	wrdreg $0xFFFFFFFF  }
0xad: {  	[dreg:$0x0] =	wrdreg $0x60  }
0xae: {  	[dreg:$0x2] =	wrdreg s2  }
0xaf: {  	[dreg:$0x3] =	wrdreg s24  }
0xb0: {  	[dreg:$0x4] =	wrdreg $0xA  }
0xb1: {  	_ =	task.clear_ibuf [dreg:s7], $0x5FFFF;
	_ =	strace $0x90000049  }
0xb2: {  	s29 =	simm.s32 $0xA;
	_ =	strace $0x8000004B  }
0xb3: {  	_ =	swait.ge [sflag:s29], $0x1  }
0xb4: {  	[sflag:s29] =	ssyncadd.s32 $0xFFFFFFFF  }
0xb5: {  	_ =	strace $0x9000004B  }
0xb6: {  	_ =	sfence  }
0xb7: {  	s30 =	sld [smem:$0x0];
	_ =	sdelay $0x2  }
0xb8: {  	s31 =	sshll.u32 s1, $0xD;
	s1 =	sshrl.u32 s1, $0x2  }
0xb9: {  	s3 =	sand.u32 $0x4000, s31;
	s1 =	sadd.s32 s1, s30  }
0xba: {  	s0 =	sor.u32 s3, s0;
	s1 =	sshll.u32 s1, $0x11  }
0xbb: {  	s0 =	sor.u32 s1, s0  }
0xbc: {  	s0 =	sadd.s32 $0x8F2B, s0  }
0xbd: {  	[sflag:s0] =	ssyncadd.remote.s32 $0x1  }
0xbe: {  	_ =	sfence.sel $0xFFFF  }
0xbf: {  	[dreg:$0x0] =	wrdreg $0xFFFFFFFF;
	(pc) =	sbr.abs _section_cstart, $3  }
0xc0: {  	[dreg:$0x1] =	wrdreg $0xFFFFFFFF  }
0xc1: {  	_ =	task.clear_ibuf [dreg:s7], $0x2FFFF;
	_ =	strace $0x9FFFFFFF  }
0xc2: {  	(tm) =	ssettm $0x7FFFFFFF  }
0xc3: {  	_ =	shalt  }
tec
execute0_lowered:
.L_overlay_start_1:
0x0: {  	(tag) =	ssettag $0x1  }
0x1: {  	s5 =	rddreg [dreg:$0x0]  }
0x2: {  	s6 =	rddreg [dreg:$0x1]  }
0x3: {  	s0 =	rddreg [dreg:$0x2];
	s2 =	simm.s32 $0x0;
	s3 =	srdreg.scid  }
0x4: {  	s1 =	stileid.u32;
	s10 =	simm.s32 $0x600;
	s11 =	simm.s32 $0x400  }
0x5: {  	s12 =	simm.s32 $0x1600;
	s13 =	simm.s32 $0x1;
	s14 =	simm.s32 $0x2600  }
0x6: {  	s15 =	simm.s32 $0x0;
	[smem:$0x7FF] =	sst s2;
	s4 =	sand.u32 $0x1, s3  }
0x7: {  	s7 =	sshll.u32 s1, $0x7;
	s3 =	sadd.s32 $0x11000, s6;
	s8 =	sshll.u32 s4, $0x6  }
0x8: {  	_ =	strace $0x8000004A;
	s31 =	ssub.s32 $0x2, s4;
	s7 =	sor.u32 s8, s7  }
0x9: {  	s4 =	sadd.s32 $0x1000, s6;
	s9 =	sshrl.u32 s31, $0x1;
	s6 =	sadd.s32 s7, s6  }
0xa: {  	v0 =	vlaneseq.u32;
	s8 =	ssub.s32 s31, s9;
	s5 =	sadd.s32 s5, s7;
	s9 =	simm.s32 $0x200  }
0xb: {  	v0 =	vmul.u32 $0x8, v0;
	s6 =	sadd.s32 $0x21000, s6;
	s7 =	smax.u32 s8, $0x1;
	s8 =	simm.s32 $0x2  }
.LBB2_1:
0xc: {  	[tilespmem:s2], [sflag:$0x2] =	stream.linear.gather [hbm4b:s5+s2], $0x200, $0x38;
	[tilespmem:$0x2800] =	vst v63  }
0xd: {  	_ =	swait.ge [sflag:s8], $0x200  }
0xe: {  	[sflag:s8] =	ssyncset.done $0x0  }
0xf: {  	s16 =	simm.s32 $0x0;
	[sflag:s8] =	ssyncadd.s32 $0xFFFFFE00  }
0x10: {  	v1 =	vld [tilespmem:s16+$0x0]  }
0x11: {  	s17 =	simm.s32 $0x40  }
.LBB2_2:
0x12: {  	_ = 	snop  }
0x13: {  	p0 =	sne.s32 s17, $0x7C0  }
.Ltmp0:
0x14: {  	_ = 	snop;
	(pc) =	sbr.rel @p0 .LBB2_2-.Ltmp0, $4  }
0x15: {  	v2 =	vshrl.u32 v1, $0x3  }
0x16: {  	s18 =	sshra.s32 s17, $0x2;
	v2 =	vand.u32 $0xFFFF, v2  }
0x17: {  	v1 =	vld [tilespmem:s18+$0x0];
	[tilespmem:s16+$0x400] =	vst v2  }
0x18: {  	s17 =	sadd.s32 $0x40, s17;
	[tilespmem:s16+$0x200] =	vst v2;
	s16 =	smov.u32 s18  }
0x19: {  	_ =	sdelay $0x2  }
0x1a: {  	v1 =	vshrl.u32 v1, $0x3  }
0x1b: {  	v1 =	vand.u32 $0xFFFF, v1  }
0x1c: {  	[tilespmem:s16+$0x400] =	vst v1  }
0x1d: {  	[tilespmem:s16+$0x200] =	vst v1  }
0x1e: {  	[tilespmem:s10], [sflag:$0x1] =	stream.indirect.gather [hbm4b:s3+s9], $0x8, s9, s9, $0xb8;
	[tilespmem:$0x2800] =	vst v63  }
0x1f: {  	_ = 	snop  }
0x20: {  	[tilespmem:s12], [sflag:$0x1] =	stream.indirect.gather [hbm4b:s4+s9], $0x8, s11, s9, $0xb8;
	[tilespmem:$0x2800] =	vst v63  }
0x21: {  	_ =	swait.ge [sflag:s13], $0x1000  }
0x22: {  	[sflag:s13] =	ssyncset.done $0x0  }
0x23: {  	[sflag:s13] =	ssyncadd.s32 $0xFFFFF000  }
0x24: {  	_ =	swait.ge [sflag:s13], $0x1000  }
0x25: {  	[sflag:s13] =	ssyncset.done $0x0  }
0x26: {  	s31 =	simm.s32 $0x0;
	[sflag:s13] =	ssyncadd.s32 $0xFFFFF000  }
0x27: {  	v1 =	vld [tilespmem:s31+$0x0];
	_ =	sdelay $0x2  }
0x28: {  	v2 =	vmov s31  }
0x29: {  	v2 =	vshll.u32 v2, $0x3  }
0x2a: {  	v2 =	vor.u32 v0, v2;
	v3 =	vand.u32 $0x7, v1  }
0x2b: {  	v2 =	vor.u32 v2, v3;
	_ =	sdelay $0x4  }
0x2c: {  	v3 =	vld.idx.msk [tilespmem:v2+s10+$0x0], $0xffff  }
0x2d: {  	v2 =	vld.idx.msk [tilespmem:v2+s12+$0x0], $0xffff;
	_ =	sdelay $0x3  }
0x2e: {  	vm0 =	vgt.s32 v1, $0x7FFFF  }
0x2f: {  	s16 =	simm.s32 $0x2600;
	v1 =	vsel vm0, v2, v3  }
0x30: {  	s17 =	simm.s32 $0x10;
	[tilespmem:s16+$0x0] =	vst v1  }
0x31: {  	v1 =	vld [tilespmem:s17+$0x0]  }
0x32: {  	s18 =	simm.s32 $0x20;
	s19 =	simm.s32 $0x10  }
.LBB2_4:
0x33: {  	p0 =	sne.s32 s18, $0x1F0  }
0x34: {  	v2 =	vmov s17;
	s17 =	smov.u32 s18  }
0x35: {  	v2 =	vshll.u32 v2, $0x3  }
0x36: {  	v2 =	vor.u32 v0, v2;
	v3 =	vand.u32 $0x7, v1  }
0x37: {  	v2 =	vor.u32 v2, v3;
	_ =	sdelay $0x4  }
0x38: {  	v3 =	vld.idx.msk [tilespmem:v2+s10+$0x0], $0xffff  }
0x39: {  	v2 =	vld.idx.msk [tilespmem:v2+s12+$0x0], $0xffff;
	_ =	sdelay $0x4  }
.Ltmp1:
0x3a: {  	vm0 =	vgt.s32 v1, $0x7FFFF;
	(pc) =	sbr.rel @p0 .LBB2_4-.Ltmp1, $4  }
0x3b: {  	s16 =	sadd.s32 $0x10, s16;
	v1 =	vsel vm0, v2, v3  }
0x3c: {  	s19 =	sadd.s32 $0x10, s19;
	[tilespmem:s16+$0x0] =	vst v1  }
0x3d: {  	v1 =	vld [tilespmem:s19+$0x0]  }
0x3e: {  	s18 =	sadd.s32 $0x10, s18  }
0x3f: {  	_ = 	snop  }
0x40: {  	v2 =	vmov s17  }
0x41: {  	v2 =	vshll.u32 v2, $0x3  }
0x42: {  	v2 =	vor.u32 v0, v2;
	v3 =	vand.u32 $0x7, v1  }
0x43: {  	v2 =	vor.u32 v2, v3;
	_ =	sdelay $0x4  }
0x44: {  	v3 =	vld.idx.msk [tilespmem:v2+s10+$0x0], $0xffff  }
0x45: {  	v2 =	vld.idx.msk [tilespmem:v2+s12+$0x0], $0xffff;
	_ =	sdelay $0x3  }
0x46: {  	s15 =	sadd.s32 $0x1, s15;
	vm0 =	vgt.s32 v1, $0x7FFFF  }
0x47: {  	s16 =	sadd.s32 $0x10, s16;
	p0 =	sne.s32 s15, s7;
	v1 =	vsel vm0, v2, v3  }
.Ltmp2:
0x48: {  	[tilespmem:s16+$0x0] =	vst v1;
	(pc) =	sbr.rel @p0 .LBB2_1-.Ltmp2, $4  }
0x49: {  	[hbm4b:s6+s2] =	stream.linear.scatter [tilespmem:s14], [sflag:$0x2], $0x200, $0x38;
	[tilespmem:$0x2800] =	vst v63  }
0x4a: {  	_ =	swait.ge [sflag:s8], $0x200  }
0x4b: {  	[sflag:s8] =	ssyncset.done $0x0  }
0x4c: {  	[sflag:s8] =	ssyncadd.s32 $0xFFFFFE00  }
0x4d: {  	_ =	sfence.sel $0x180000  }
0x4e: {  	[bflag:$0x0] =	sbarrier.arrive $0xFFFF  }
0x4f: {  	p0 =	sne.s32 s1, $0x0;
	_ =	strace $0x9000004A  }
0x50: {  	s0 =	sadd.s32 @!p0 $0x100000, s0;
	[bflag:$0x2] =	sbarrier.arrive $0xFFFF  }
0x51: {  	[sflag:s0] =	ssyncadd.tile.s32 @!p0 $0x1;
	_ =	shalt  }
.Lfunc_end2:
_tile_overlayer_lowered:
.L_overlay_start_2:
0x52: {  	(tag) =	ssettag $0x2  }
0x53: {  	s0 =	rddreg [dreg:$0x0];
	s2 =	stileid.u32  }
0x54: {  	s1 =	rddreg [dreg:$0x1];
	p0 =	sne.s32 s2, $0x0  }
0x55: {  	s3 =	rddreg [dreg:$0x2];
	[bflag:$0x3] =	sbarrier.arrive $0xFFFF;
	s2 =	simm.s32 @!p0 $0x1C02  }
0x56: {  	[timem:s3], [sflag:s2] =	dma.local @!p0 [hbm:s0], s1  }
0x57: {  	s0 =	simm.s32 @!p0 $0x2  }
0x58: {  	_ =	swait.ge @!p0 [sflag:s0], s1  }
0x59: {  	s1 =	ssub.s32 @!p0 $0x0, s1;
	[sflag:s0] =	ssyncset.done @!p0 $0x0  }
0x5a: {  	[sflag:s0] =	ssyncadd.s32 @!p0 s1  }
0x5b: {  	[bflag:$0x3] =	sbarrier.arrive $0xFFFF  }
0x5c: {  	_ =	shalt  }

// kernel: kernel.5.cloned.1.call-start
scs
__scs_entry_jumppad:
0x0: {  	(pc) =	sbr.rel $0x88, $3  }
0x1: {  	(tag) =	ssettag $0x0;
	lr =	simm.s32 $0x1  }
0x2: {  	[smem:$0x3F9F] =	sst lr;
	_ =	strace $0xD0000000  }
0x3: {  	_ = 	snop  }
0x4: {  	_ = 	snop  }
0x5: {  	_ = 	snop  }
0x6: {  	_ = 	snop  }
0x7: {  	_ = 	snop  }
__scs_overlays_trampoline_lowered:
0x8: {  	[smem:$0x3FAE] =	sst s0  }
0x9: {  	[smem:$0x3FAF] =	sst s1  }
0xa: {  	[smem:$0x3FB0] =	sst s2  }
0xb: {  	[smem:$0x3FB1] =	sst s3  }
0xc: {  	[smem:$0x3FB2] =	sst s4  }
0xd: {  	[smem:$0x3FB3] =	sst s5  }
0xe: {  	[smem:$0x3FB4] =	sst s6  }
0xf: {  	[smem:$0x3FB5] =	sst s7  }
0x10: {  	[smem:$0x3FB6] =	sst s8  }
0x11: {  	[smem:$0x3FB7] =	sst s9;
	s0 =	simm.s32 @!p0 $0x0  }
0x12: {  	s1 =	sld [smem:$0x3F9D];
	s0 =	simm.s32 @p0 $0x1  }
0x13: {  	[smem:$0x3FB8] =	sst s0;
	s0 =	simm.s32 @!p1 $0x0  }
0x14: {  	s2 =	sld [smem:$0x3F9C];
	s0 =	simm.s32 @p1 $0x1  }
0x15: {  	[smem:$0x3FB9] =	sst s0;
	s0 =	simm.s32 @!p2 $0x0  }
0x16: {  	s3 =	sld [smem:$0x3FDB];
	s0 =	simm.s32 @p2 $0x1  }
0x17: {  	s4 =	simm.s32 $0x1BF5;
	[smem:$0x3FBB] =	sst s0  }
0x18: {  	s0 =	sld [smem:$0x3F9E];
	_ =	swait.ge [sflag:s4], $0x0  }
0x19: {  	s7 =	sld [smem:$0x3F9F]  }
0x1a: {  	s8 =	sadd.s32 $0xFFFFE003, lr  }
0x1b: {  	s9 =	sadd.s32 $0xFFFFFEF7, lr;
	s5 =	simm.s32 $0xFFFFFFFF;
	p2 =	slt.u32 s8, $0xFFFFF086  }
0x1c: {  	p1 =	slt.u32 s9, $0xF7A;
	s5 =	simm.s32 @!p2 $0x0  }
0x1d: {  	s5 =	simm.s32 @p1 $0x1;
	p0 =	seq.s32 s7, s2  }
0x1e: {  	s7 =	smul.u32 @!p0 $0xF7A, s2;
	p2 =	seq.s32 @!p0 s5, $0x0  }
0x1f: {  	s9 =	smul.u32 $0xF7A, s1;
	s8 =	simm.s32 @!p0 $0x1BF5;
	p2 =	por !p2, p0  }
0x20: {  	[sflag:s8] =	ssyncset.s32 @!p0 $0xFFFFF086;
	s6 =	sadd.s32 @!p0 s3, s7;
	s7 =	simm.s32 @!p0 $0x108  }
0x21: {  	s3 =	sadd.s32 s3, s9;
	s6 =	sadd.s32 @!p0 $0x88, s6;
	s7 =	simm.s32 @p2 $0x1082  }
0x22: {  	[simem:s7], [sflag:s8] =	dma.local @!p0 [hbm:s6], $0xF7A  }
0x23: {  	s9 =	sor.u32 $0xD0000000, s2;
	s6 =	simm.s32 $0x108;
	_ =	swait.ge @!p0 [sflag:s8], $0x0  }
0x24: {  	s3 =	sadd.s32 $0x88, s3;
	s6 =	simm.s32 @!p1 $0x1082;
	[sflag:s4] =	ssyncset.s32 $0xFFFFF086  }
0x25: {  	[simem:s6], [sflag:s4] =	dma.local [hbm:s3], $0xF7A  }
0x26: {  	[smem:$0x3F9F] =	sst s1;
	(tag) =	ssettag s2;
	_ =	strace s9  }
0x27: {  	s1 =	sld [smem:$0x3FAF]  }
0x28: {  	s2 =	sld [smem:$0x3FB0]  }
0x29: {  	s4 =	sld [smem:$0x3FB2]  }
0x2a: {  	p0 =	seq.s32 s5, $0x0;
	s5 =	sld [smem:$0x3FB3]  }
0x2b: {  	s6 =	sld [smem:$0x3FB4]  }
0x2c: {  	s7 =	sld [smem:$0x3FB5]  }
0x2d: {  	s3 =	simm.s32 $0x108;
	s8 =	sld [smem:$0x3FB6]  }
0x2e: {  	s3 =	simm.s32 @!p0 $0x1082;
	s9 =	sld [smem:$0x3FB7]  }
0x2f: {  	lr =	sadd.s32 s0, s3;
	s0 =	sld [smem:$0x3FAE]  }
0x30: {  	s3 =	sld [smem:$0x3FB1]  }
0x31: {  	[smem:$0x3FBA] =	sst s10  }
0x32: {  	s10 =	sld [smem:$0x3FB8];
	_ =	sdelay $0x3  }
0x33: {  	p0 =	seq.s32 s10, $0x1;
	s10 =	sld [smem:$0x3FBA];
	_ =	sdelay $0x3  }
0x34: {  	[smem:$0x3FBA] =	sst s10  }
0x35: {  	s10 =	sld [smem:$0x3FB9];
	_ =	sdelay $0x3  }
0x36: {  	p1 =	seq.s32 s10, $0x1;
	s10 =	sld [smem:$0x3FBA];
	_ =	sdelay $0x3  }
0x37: {  	[smem:$0x3FBA] =	sst s10  }
0x38: {  	s10 =	sld [smem:$0x3FBB]  }
0x39: {  	_ = 	snop;
	(pc) =	sbr.ind lr, $3  }
0x3a: {  	_ = 	snop  }
0x3b: {  	_ = 	snop  }
0x3c: {  	p2 =	seq.s32 s10, $0x1;
	s10 =	sld [smem:$0x3FBA]  }
0x3d: {  	_ =	shalt  }
0x3e: {  	_ =	shalt  }
0x3f: {  	_ =	shalt  }
0x40: {  	_ =	shalt  }
0x41: {  	_ =	shalt  }
0x42: {  	_ =	shalt  }
0x43: {  	_ =	shalt  }
0x44: {  	_ =	shalt  }
0x45: {  	_ =	shalt  }
0x46: {  	_ =	shalt  }
0x47: {  	_ =	shalt  }
0x48: {  	_ =	shalt  }
0x49: {  	_ =	shalt  }
0x4a: {  	_ =	shalt  }
0x4b: {  	_ =	shalt  }
0x4c: {  	_ =	shalt  }
0x4d: {  	_ =	shalt  }
0x4e: {  	_ =	shalt  }
0x4f: {  	_ =	shalt  }
0x50: {  	_ =	shalt  }
0x51: {  	_ =	shalt  }
0x52: {  	_ =	shalt  }
0x53: {  	_ =	shalt  }
0x54: {  	_ =	shalt  }
0x55: {  	_ =	shalt  }
0x56: {  	_ =	shalt  }
0x57: {  	_ =	shalt  }
0x58: {  	_ =	shalt  }
0x59: {  	_ =	shalt  }
0x5a: {  	_ =	shalt  }
0x5b: {  	_ =	shalt  }
0x5c: {  	_ =	shalt  }
0x5d: {  	_ =	shalt  }
0x5e: {  	_ =	shalt  }
0x5f: {  	_ =	shalt  }
0x60: {  	_ =	shalt  }
0x61: {  	_ =	shalt  }
0x62: {  	_ =	shalt  }
0x63: {  	_ =	shalt  }
0x64: {  	_ =	shalt  }
0x65: {  	_ =	shalt  }
0x66: {  	_ =	shalt  }
0x67: {  	_ =	shalt  }
0x68: {  	_ =	shalt  }
0x69: {  	_ =	shalt  }
0x6a: {  	_ =	shalt  }
0x6b: {  	_ =	shalt  }
0x6c: {  	_ =	shalt  }
0x6d: {  	_ =	shalt  }
0x6e: {  	_ =	shalt  }
0x6f: {  	_ =	shalt  }
0x70: {  	_ =	shalt  }
0x71: {  	_ =	shalt  }
0x72: {  	_ =	shalt  }
0x73: {  	_ =	shalt  }
0x74: {  	_ =	shalt  }
0x75: {  	_ =	shalt  }
0x76: {  	_ =	shalt  }
0x77: {  	_ =	shalt  }
0x78: {  	_ =	shalt  }
0x79: {  	_ =	shalt  }
0x7a: {  	_ =	shalt  }
0x7b: {  	_ =	shalt  }
0x7c: {  	_ =	shalt  }
0x7d: {  	_ =	shalt  }
0x7e: {  	_ =	shalt  }
0x7f: {  	_ =	shalt  }
0x80: {  	_ =	shalt  }
0x81: {  	_ =	shalt  }
0x82: {  	_ =	shalt  }
0x83: {  	_ =	shalt  }
0x84: {  	_ =	shalt  }
0x85: {  	_ =	shalt  }
0x86: {  	_ =	shalt  }
0x87: {  	_ =	shalt  }
.Lfunc_end0:
.L_simem_size_0:
called_computation_lowered:
.L_overlay_start_0:
0x88: {  	s2 =	sld [smem:$0x3FD9]  }
0x89: {  	s3 =	sld [smem:$0x3FFE];
	_ =	sdelay $0x1  }
0x8a: {  	s1 =	srdreg.scid  }
0x8b: {  	s0 =	sand.u32 $0x1, s1  }
0x8c: {  	s18 =	sshll.u32 s0, $0xA;
	s2 =	sadd.s32 s3, s2  }
0x8d: {  	s2 =	sadd.s32 s2, s18  }
0x8e: {  	[smem:$0x3FC6] =	sst s2  }
0x8f: {  	_ = 	snop  }
0x90: {  	s2 =	sld [smem:$0x3FC9]  }
0x91: {  	s19 =	sld [smem:$0x3FD0];
	(tm) =	ssettm $0x1  }
0x92: {  	s4 =	sld [smem:$0x3FFB];
	_ =	sdelay $0x3  }
0x93: {  	_ =	strace s4  }
0x94: {  	s4 =	sld [smem:$0x3FFC];
	_ =	sdelay $0x3  }
0x95: {  	_ =	strace s4  }
0x96: {  	s4 =	sld [smem:$0x3FFD];
	_ =	sdelay $0x3  }
0x97: {  	_ =	strace s4  }
0x98: {  	_ =	strace $0x8FFFFFFF  }
0x99: {  	s20 =	sld [smem:$0x3FDB];
	_ =	sdelay $0x1  }
0x9a: {  	s5 =	simm.s32 $_scs_section_size  }
0x9b: {  	s6 =	simm.s32 $_size__tile_overlayer_lowered;
	s7 =	simm.s32 $_tile_overlayer_lowered  }
0x9c: {  	s23 =	simm.s32 $0x1BFF;
	s22 =	sshll.u32 s7, $0x1;
	s4 =	sadd.s32 s5, s20  }
0x9d: {  	s8 =	simm.s32 $0x0;
	s21 =	sshll.u32 s6, $0x1;
	s6 =	sadd.s32 s22, s4  }
0x9e: {  	[timem:s8], [sflag:s23] =	dma.local [hbm:s6], s21  }
0x9f: {  	_ =	swait.ge [sflag:s23], s21  }
0xa0: {  	s5 =	ssub.s32 $0x0, s21;
	[sflag:s23] =	ssyncset.done $0x0  }
0xa1: {  	[sflag:s23] =	ssyncadd.s32 s5;
	_ =	sdelay $0x1  }
0xa2: {  	s24 =	simm.s32 $0x1B8B  }
0xa3: {  	_ =	swait.ge [sflag:s24], $0x1  }
0xa4: {  	[sflag:s24] =	ssyncset.done $0x0  }
0xa5: {  	s25 =	simm.s32 $0x1B8E;
	[sflag:s24] =	ssyncadd.s32 $0xFFFFFFFF  }
0xa6: {  	s26 =	simm.s32 $execute0_lowered;
	[smem:$0x3FD2] =	sst s25  }
0xa7: {  	s5 =	sshll.u32 s26, $0x1;
	_ =	strace $0x80000046;
	[dreg:$0x1] =	wrdreg $0xFFFFFFFF  }
0xa8: {  	s28 =	simm.s32 $_size_execute0_lowered;
	s4 =	sadd.s32 s4, s5;
	[dreg:$0x0] =	wrdreg $0x0  }
0xa9: {  	s5 =	sshll.u32 s28, $0x1;
	[dreg:$0x2] =	wrdreg s4  }
0xaa: {  	[dreg:$0x3] =	wrdreg s5  }
0xab: {  	[dreg:$0x4] =	wrdreg $0xC0  }
0xac: {  	_ =	task [dreg:s8], $0x5FFFF  }
0xad: {  	[dreg:$0x1] =	wrdreg $0xFFFFFFFF  }
0xae: {  	[dreg:$0x0] =	wrdreg $0x60  }
0xaf: {  	[dreg:$0x2] =	wrdreg s2  }
0xb0: {  	[dreg:$0x3] =	wrdreg s19  }
0xb1: {  	[dreg:$0x4] =	wrdreg $0x9  }
0xb2: {  	_ =	task.clear_ibuf [dreg:s8], $0x5FFFF;
	_ =	strace $0x90000046  }
0xb3: {  	s29 =	simm.s32 $0x9;
	_ =	strace $0x80000048  }
0xb4: {  	_ =	swait.ge [sflag:s29], $0x1  }
0xb5: {  	[sflag:s29] =	ssyncadd.s32 $0xFFFFFFFF  }
0xb6: {  	_ =	strace $0x90000048  }
0xb7: {  	_ =	sfence  }
0xb8: {  	s30 =	sld [smem:$0x0];
	_ =	sdelay $0x2  }
0xb9: {  	s31 =	sshll.u32 s1, $0xD;
	s1 =	sshrl.u32 s1, $0x2  }
0xba: {  	s3 =	sand.u32 $0x4000, s31;
	s1 =	sadd.s32 s1, s30  }
0xbb: {  	s0 =	sor.u32 s3, s0;
	s1 =	sshll.u32 s1, $0x11  }
0xbc: {  	s0 =	sor.u32 s1, s0  }
0xbd: {  	s0 =	sadd.s32 $0x8F2B, s0  }
0xbe: {  	[sflag:s0] =	ssyncadd.remote.s32 $0x1  }
0xbf: {  	_ =	sfence.sel $0xFFFF  }
0xc0: {  	[dreg:$0x0] =	wrdreg $0xFFFFFFFF;
	(pc) =	sbr.abs _section_cstart, $3  }
0xc1: {  	[dreg:$0x1] =	wrdreg $0xFFFFFFFF  }
0xc2: {  	_ =	task.clear_ibuf [dreg:s8], $0x2FFFF;
	_ =	strace $0x9FFFFFFF  }
0xc3: {  	(tm) =	ssettm $0x7FFFFFFF  }
tec
execute0_lowered:
.L_overlay_start_1:
0x0: {  	(tag) =	ssettag $0x1  }
0x1: {  	s3 =	rddreg [dreg:$0x0]  }
0x2: {  	s4 =	rddreg [dreg:$0x1];
	s2 =	srdreg.scid  }
0x3: {  	s0 =	rddreg [dreg:$0x2];
	s1 =	stileid.u32;
	s9 =	simm.s32 $0x3000  }
0x4: {  	s10 =	simm.s32 $0x0;
	s5 =	sand.u32 $0x1, s2;
	s2 =	simm.s32 $0x0  }
0x5: {  	s6 =	sshll.u32 s1, $0xA;
	s7 =	sshll.u32 s5, $0x9;
	[smem:$0x7FF] =	sst s2  }
0x6: {  	s5 =	ssub.s32 $0x2, s5;
	s6 =	sor.u32 s7, s6;
	_ =	strace $0x80000047  }
0x7: {  	s31 =	sshrl.u32 s5, $0x1;
	s7 =	simm.s32 $0x20000;
	s8 =	sshrl.u32 s6, $0x3  }
0x8: {  	s5 =	ssub.s32 s5, s31;
	s3 =	sadd.s32 s3, s6;
	s6 =	simm.s32 $0x1000  }
0x9: {  	s4 =	sadd.s32 s4, s8;
	s5 =	smax.u32 s5, $0x1;
	s8 =	simm.s32 $0x1  }
.LBB2_1:
0xa: {  	[tilespmem:s2], [sflag:$0x1] =	stream.strided.gather [hbm4b:s3+s6], $0x3000, s7, s6, $0x38;
	[tilespmem:$0x3200] =	vst v63  }
0xb: {  	_ =	swait.ge [sflag:s8], $0x3000  }
0xc: {  	s11 =	sand.u32 $0x70, s2;
	s12 =	sand.u32 $0xC00, s2;
	[sflag:s8] =	ssyncset.done $0x0  }
0xd: {  	s11 =	sor.u32 s11, s12;
	[sflag:s8] =	ssyncadd.s32 $0xFFFFD000  }
0xe: {  	v0 =	vld [tilespmem:s11+$0x1380]  }
0xf: {  	v1 =	vld [tilespmem:s11+$0x1180]  }
0x10: {  	v2 =	vld [tilespmem:s11+$0x380]  }
0x11: {  	v3 =	vld [tilespmem:s11+$0x100]  }
0x12: {  	v4 =	vld [tilespmem:s11+$0x0]  }
0x13: {  	v5 =	vld [tilespmem:s11+$0x80]  }
0x14: {  	v6 =	vld [tilespmem:s11+$0x180]  }
0x15: {  	v7 =	vld [tilespmem:s11+$0x200]  }
0x16: {  	v8 =	vld [tilespmem:s11+$0x280]  }
0x17: {  	v9 =	vld [tilespmem:s11+$0x300]  }
0x18: {  	v10 =	vld [tilespmem:s11+$0x1000];
	v4 =	vshll.u32 v4, $0x2;
	v5 =	vshll.u32 v5, $0x1  }
0x19: {  	v4 =	vadd.s32 v4, v5;
	v5 =	vld [tilespmem:s11+$0x1080]  }
0x1a: {  	v58 =	vld [tilespmem:s11+$0x1100];
	v57 =	vshll.u32 v7, $0x2;
	v3 =	vadd.s32 v3, v4;
	v4 =	vshll.u32 v6, $0x3  }
0x1b: {  	v60 =	vld [tilespmem:s11+$0x1200];
	v59 =	vshll.u32 v8, $0x1;
	v3 =	vshll.u32 v3, $0x4;
	v4 =	vadd.s32 v57, v4  }
0x1c: {  	v61 =	vld [tilespmem:s11+$0x1280];
	v3 =	vadd.s32 v4, v3;
	v4 =	vadd.s32 v59, v9  }
0x1d: {  	v62 =	vld [tilespmem:s11+$0x1300];
	v2 =	vshll.u32 v2, $0x3;
	v3 =	vadd.s32 v3, v4;
	v4 =	vshll.u32 v10, $0x2  }
0x1e: {  	v3 =	vshll.u32 v3, $0x4;
	v2 =	vadd.s32 v4, v2;
	v4 =	vshll.u32 v5, $0x1;
	v5 =	vld [tilespmem:s11+$0x2000]  }
0x1f: {  	v2 =	vadd.s32 v2, v3;
	v3 =	vadd.s32 v4, v58;
	v4 =	vld [tilespmem:s11+$0x2080]  }
0x20: {  	v63 =	vld [tilespmem:s11+$0x2100];
	v1 =	vshll.u32 v1, $0x3;
	v2 =	vadd.s32 v2, v3;
	v3 =	vshll.u32 v60, $0x2  }
0x21: {  	v2 =	vshll.u32 v2, $0x4;
	v1 =	vadd.s32 v3, v1;
	v3 =	vshll.u32 v61, $0x1  }
0x22: {  	v1 =	vadd.s32 v1, v2;
	v2 =	vadd.s32 v3, v62  }
0x23: {  	v0 =	vshll.u32 v0, $0x3;
	v3 =	vld [tilespmem:s11+$0x2180];
	v1 =	vadd.s32 v1, v2;
	v2 =	vshll.u32 v5, $0x2  }
0x24: {  	v1 =	vshll.u32 v1, $0x4;
	v0 =	vadd.s32 v2, v0;
	v2 =	vshll.u32 v4, $0x1  }
0x25: {  	v0 =	vadd.s32 v0, v1;
	v1 =	vadd.s32 v2, v63  }
0x26: {  	v0 =	vadd.s32 v0, v1  }
0x27: {  	s30 =	simm.s32 $0x10;
	s13 =	simm.s32 $0x80;
	v0 =	vshll.u32 v0, $0x1  }
0x28: {  	s31 =	sand.u32 $0xC00, s13;
	s11 =	sand.u32 $0x70, s30;
	v0 =	vadd.s32 v3, v0  }
0x29: {  	s12 =	sor.u32 s11, s31;
	[tilespmem:s9+$0x0] =	vst v0  }
0x2a: {  	v0 =	vld [tilespmem:s12+$0x1380]  }
0x2b: {  	v1 =	vld [tilespmem:s12+$0x1180]  }
0x2c: {  	v2 =	vld [tilespmem:s12+$0x380]  }
0x2d: {  	s14 =	simm.s32 $0x20;
	s11 =	simm.s32 $0x3000;
	v3 =	vld [tilespmem:s12+$0x100]  }
.LBB2_2:
0x2e: {  	p0 =	sne.s32 s14, $0x1F0;
	v4 =	vld [tilespmem:s12+$0x0]  }
0x2f: {  	v5 =	vld [tilespmem:s12+$0x80]  }
0x30: {  	v6 =	vld [tilespmem:s12+$0x180]  }
0x31: {  	v7 =	vld [tilespmem:s12+$0x200]  }
0x32: {  	v8 =	vld [tilespmem:s12+$0x280]  }
0x33: {  	v9 =	vld [tilespmem:s12+$0x300]  }
0x34: {  	v4 =	vshll.u32 v4, $0x2;
	v5 =	vshll.u32 v5, $0x1;
	v10 =	vld [tilespmem:s12+$0x1000]  }
0x35: {  	v4 =	vadd.s32 v4, v5;
	v5 =	vld [tilespmem:s12+$0x1080]  }
0x36: {  	v3 =	vadd.s32 v3, v4;
	v4 =	vshll.u32 v6, $0x3;
	v6 =	vshll.u32 v7, $0x2;
	v7 =	vld [tilespmem:s12+$0x1100]  }
0x37: {  	v3 =	vshll.u32 v3, $0x4;
	v4 =	vadd.s32 v6, v4;
	v6 =	vshll.u32 v8, $0x1;
	v8 =	vld [tilespmem:s12+$0x1200]  }
0x38: {  	v3 =	vadd.s32 v4, v3;
	v4 =	vadd.s32 v6, v9;
	v6 =	vld [tilespmem:s12+$0x1280]  }
0x39: {  	v2 =	vshll.u32 v2, $0x3;
	v3 =	vadd.s32 v3, v4;
	v4 =	vshll.u32 v10, $0x2;
	v9 =	vld [tilespmem:s12+$0x1300]  }
0x3a: {  	v3 =	vshll.u32 v3, $0x4;
	v2 =	vadd.s32 v4, v2;
	v4 =	vshll.u32 v5, $0x1;
	v5 =	vld [tilespmem:s12+$0x2000]  }
0x3b: {  	v2 =	vadd.s32 v2, v3;
	v3 =	vadd.s32 v4, v7;
	v4 =	vld [tilespmem:s12+$0x2080]  }
0x3c: {  	v1 =	vshll.u32 v1, $0x3;
	v2 =	vadd.s32 v2, v3;
	v3 =	vshll.u32 v8, $0x2;
	v7 =	vld [tilespmem:s12+$0x2100]  }
0x3d: {  	v2 =	vshll.u32 v2, $0x4;
	v1 =	vadd.s32 v3, v1;
	v3 =	vshll.u32 v6, $0x1  }
0x3e: {  	v1 =	vadd.s32 v1, v2;
	v2 =	vadd.s32 v3, v9  }
0x3f: {  	v0 =	vshll.u32 v0, $0x3;
	v1 =	vadd.s32 v1, v2;
	v2 =	vshll.u32 v5, $0x2;
	v3 =	vld [tilespmem:s12+$0x2180]  }
0x40: {  	v1 =	vshll.u32 v1, $0x4;
	v0 =	vadd.s32 v2, v0;
	v2 =	vshll.u32 v4, $0x1  }
0x41: {  	v0 =	vadd.s32 v0, v1;
	v1 =	vadd.s32 v2, v7  }
0x42: {  	v0 =	vadd.s32 v0, v1  }
0x43: {  	s13 =	sadd.s32 $0x80, s13;
	v0 =	vshll.u32 v0, $0x1  }
0x44: {  	s11 =	sadd.s32 $0x10, s11;
	s15 =	sand.u32 $0xC00, s13;
	s12 =	sand.u32 $0x70, s14;
	v0 =	vadd.s32 v3, v0  }
.Ltmp0:
0x45: {  	s12 =	sor.u32 s12, s15;
	[tilespmem:s11+$0x0] =	vst v0;
	(pc) =	sbr.rel @p0 .LBB2_2-.Ltmp0, $4  }
0x46: {  	v0 =	vld [tilespmem:s12+$0x1380]  }
0x47: {  	v1 =	vld [tilespmem:s12+$0x1180]  }
0x48: {  	v2 =	vld [tilespmem:s12+$0x380]  }
0x49: {  	s14 =	sadd.s32 $0x10, s14;
	v3 =	vld [tilespmem:s12+$0x100]  }
0x4a: {  	v4 =	vld [tilespmem:s12+$0x0]  }
0x4b: {  	v5 =	vld [tilespmem:s12+$0x80]  }
0x4c: {  	v6 =	vld [tilespmem:s12+$0x180]  }
0x4d: {  	v7 =	vld [tilespmem:s12+$0x200]  }
0x4e: {  	v8 =	vld [tilespmem:s12+$0x280]  }
0x4f: {  	v9 =	vld [tilespmem:s12+$0x300]  }
0x50: {  	v10 =	vld [tilespmem:s12+$0x1000];
	v4 =	vshll.u32 v4, $0x2;
	v5 =	vshll.u32 v5, $0x1  }
0x51: {  	v42 =	vld [tilespmem:s12+$0x1080];
	v4 =	vadd.s32 v4, v5  }
0x52: {  	v45 =	vld [tilespmem:s12+$0x1100];
	v43 =	vshll.u32 v6, $0x3;
	v44 =	vshll.u32 v7, $0x2;
	v3 =	vadd.s32 v3, v4  }
0x53: {  	v47 =	vld [tilespmem:s12+$0x1200];
	v46 =	vshll.u32 v8, $0x1;
	v4 =	vadd.s32 v44, v43;
	v3 =	vshll.u32 v3, $0x4  }
0x54: {  	v49 =	vld [tilespmem:s12+$0x1280];
	v48 =	vadd.s32 v46, v9;
	v3 =	vadd.s32 v4, v3  }
0x55: {  	v51 =	vld [tilespmem:s12+$0x1300];
	v2 =	vshll.u32 v2, $0x3;
	v50 =	vshll.u32 v10, $0x2;
	v3 =	vadd.s32 v3, v48  }
0x56: {  	v53 =	vld [tilespmem:s12+$0x2000];
	v52 =	vshll.u32 v42, $0x1;
	v2 =	vadd.s32 v50, v2;
	v3 =	vshll.u32 v3, $0x4  }
0x57: {  	v55 =	vld [tilespmem:s12+$0x2080];
	v54 =	vadd.s32 v52, v45;
	v2 =	vadd.s32 v2, v3  }
0x58: {  	v57 =	vld [tilespmem:s12+$0x2100];
	v1 =	vshll.u32 v1, $0x3;
	v56 =	vshll.u32 v47, $0x2;
	v2 =	vadd.s32 v2, v54  }
0x59: {  	v58 =	vshll.u32 v49, $0x1;
	v1 =	vadd.s32 v56, v1;
	v2 =	vshll.u32 v2, $0x4  }
0x5a: {  	v59 =	vadd.s32 v58, v51;
	v1 =	vadd.s32 v1, v2  }
0x5b: {  	v61 =	vld [tilespmem:s12+$0x2180];
	v0 =	vshll.u32 v0, $0x3;
	v60 =	vshll.u32 v53, $0x2;
	v1 =	vadd.s32 v1, v59  }
0x5c: {  	v62 =	vshll.u32 v55, $0x1;
	v0 =	vadd.s32 v60, v0;
	v1 =	vshll.u32 v1, $0x4  }
0x5d: {  	v63 =	vadd.s32 v62, v57;
	v0 =	vadd.s32 v0, v1  }
0x5e: {  	v0 =	vadd.s32 v0, v63  }
0x5f: {  	s10 =	sadd.s32 $0x1, s10;
	v0 =	vshll.u32 v0, $0x1  }
0x60: {  	s11 =	sadd.s32 $0x10, s11;
	p0 =	sne.s32 s10, s5;
	v0 =	vadd.s32 v61, v0  }
.Ltmp1:
0x61: {  	[tilespmem:s11+$0x0] =	vst v0;
	(pc) =	sbr.rel @p0 .LBB2_1-.Ltmp1, $4  }
0x62: {  	[hbm4b:s4+s2] =	stream.linear.scatter [tilespmem:s9], [sflag:$0x1], $0x200, $0x38;
	[tilespmem:$0x3200] =	vst v63  }
0x63: {  	_ =	swait.ge [sflag:s8], $0x200  }
0x64: {  	[sflag:s8] =	ssyncset.done $0x0  }
0x65: {  	[sflag:s8] =	ssyncadd.s32 $0xFFFFFE00  }
0x66: {  	_ =	sfence.sel $0x180000  }
0x67: {  	[bflag:$0x0] =	sbarrier.arrive $0xFFFF  }
0x68: {  	p0 =	sne.s32 s1, $0x0;
	_ =	strace $0x90000047  }
0x69: {  	s0 =	sadd.s32 @!p0 $0x100000, s0;
	[bflag:$0x2] =	sbarrier.arrive $0xFFFF  }
0x6a: {  	[sflag:s0] =	ssyncadd.tile.s32 @!p0 $0x1;
	_ =	shalt  }
.Lfunc_end2:
_tile_overlayer_lowered:
.L_overlay_start_2:
0x6b: {  	(tag) =	ssettag $0x2  }
0x6c: {  	s0 =	rddreg [dreg:$0x0];
	s2 =	stileid.u32  }
0x6d: {  	s1 =	rddreg [dreg:$0x1];
	p0 =	sne.s32 s2, $0x0  }
0x6e: {  	s3 =	rddreg [dreg:$0x2];
	[bflag:$0x3] =	sbarrier.arrive $0xFFFF;
	s2 =	simm.s32 @!p0 $0x1C01  }
0x6f: {  	[timem:s3], [sflag:s2] =	dma.local @!p0 [hbm:s0], s1  }
0x70: {  	s0 =	simm.s32 @!p0 $0x1  }
0x71: {  	_ =	swait.ge @!p0 [sflag:s0], s1  }
0x72: {  	s1 =	ssub.s32 @!p0 $0x0, s1;
	[sflag:s0] =	ssyncset.done @!p0 $0x0  }
0x73: {  	[sflag:s0] =	ssyncadd.s32 @!p0 s1  }
0x74: {  	[bflag:$0x3] =	sbarrier.arrive $0xFFFF  }
0x75: {  	_ =	shalt  }

// kernel: kernel.8.cloned.1.call-start
scs
__scs_entry_jumppad:
0x0: {  	(pc) =	sbr.rel $0x88, $3  }
0x1: {  	(tag) =	ssettag $0x0;
	lr =	simm.s32 $0x1  }
0x2: {  	[smem:$0x3F9F] =	sst lr;
	_ =	strace $0xD0000000  }
0x3: {  	_ = 	snop  }
0x4: {  	_ = 	snop  }
0x5: {  	_ = 	snop  }
0x6: {  	_ = 	snop  }
0x7: {  	_ = 	snop  }
__scs_overlays_trampoline_lowered:
0x8: {  	[smem:$0x3FAE] =	sst s0  }
0x9: {  	[smem:$0x3FAF] =	sst s1  }
0xa: {  	[smem:$0x3FB0] =	sst s2  }
0xb: {  	[smem:$0x3FB1] =	sst s3  }
0xc: {  	[smem:$0x3FB2] =	sst s4  }
0xd: {  	[smem:$0x3FB3] =	sst s5  }
0xe: {  	[smem:$0x3FB4] =	sst s6  }
0xf: {  	[smem:$0x3FB5] =	sst s7  }
0x10: {  	[smem:$0x3FB6] =	sst s8  }
0x11: {  	[smem:$0x3FB7] =	sst s9;
	s0 =	simm.s32 @!p0 $0x0  }
0x12: {  	s1 =	sld [smem:$0x3F9D];
	s0 =	simm.s32 @p0 $0x1  }
0x13: {  	[smem:$0x3FB8] =	sst s0;
	s0 =	simm.s32 @!p1 $0x0  }
0x14: {  	s2 =	sld [smem:$0x3F9C];
	s0 =	simm.s32 @p1 $0x1  }
0x15: {  	[smem:$0x3FB9] =	sst s0;
	s0 =	simm.s32 @!p2 $0x0  }
0x16: {  	s3 =	sld [smem:$0x3FDB];
	s0 =	simm.s32 @p2 $0x1  }
0x17: {  	s4 =	simm.s32 $0x1BF5;
	[smem:$0x3FBB] =	sst s0  }
0x18: {  	s0 =	sld [smem:$0x3F9E];
	_ =	swait.ge [sflag:s4], $0x0  }
0x19: {  	s7 =	sld [smem:$0x3F9F]  }
0x1a: {  	s8 =	sadd.s32 $0xFFFFE003, lr  }
0x1b: {  	s9 =	sadd.s32 $0xFFFFFEF7, lr;
	s5 =	simm.s32 $0xFFFFFFFF;
	p2 =	slt.u32 s8, $0xFFFFF086  }
0x1c: {  	p1 =	slt.u32 s9, $0xF7A;
	s5 =	simm.s32 @!p2 $0x0  }
0x1d: {  	s5 =	simm.s32 @p1 $0x1;
	p0 =	seq.s32 s7, s2  }
0x1e: {  	s7 =	smul.u32 @!p0 $0xF7A, s2;
	p2 =	seq.s32 @!p0 s5, $0x0  }
0x1f: {  	s9 =	smul.u32 $0xF7A, s1;
	s8 =	simm.s32 @!p0 $0x1BF5;
	p2 =	por !p2, p0  }
0x20: {  	[sflag:s8] =	ssyncset.s32 @!p0 $0xFFFFF086;
	s6 =	sadd.s32 @!p0 s3, s7;
	s7 =	simm.s32 @!p0 $0x108  }
0x21: {  	s3 =	sadd.s32 s3, s9;
	s6 =	sadd.s32 @!p0 $0x88, s6;
	s7 =	simm.s32 @p2 $0x1082  }
0x22: {  	[simem:s7], [sflag:s8] =	dma.local @!p0 [hbm:s6], $0xF7A  }
0x23: {  	s9 =	sor.u32 $0xD0000000, s2;
	s6 =	simm.s32 $0x108;
	_ =	swait.ge @!p0 [sflag:s8], $0x0  }
0x24: {  	s3 =	sadd.s32 $0x88, s3;
	s6 =	simm.s32 @!p1 $0x1082;
	[sflag:s4] =	ssyncset.s32 $0xFFFFF086  }
0x25: {  	[simem:s6], [sflag:s4] =	dma.local [hbm:s3], $0xF7A  }
0x26: {  	[smem:$0x3F9F] =	sst s1;
	(tag) =	ssettag s2;
	_ =	strace s9  }
0x27: {  	s1 =	sld [smem:$0x3FAF]  }
0x28: {  	s2 =	sld [smem:$0x3FB0]  }
0x29: {  	s4 =	sld [smem:$0x3FB2]  }
0x2a: {  	p0 =	seq.s32 s5, $0x0;
	s5 =	sld [smem:$0x3FB3]  }
0x2b: {  	s6 =	sld [smem:$0x3FB4]  }
0x2c: {  	s7 =	sld [smem:$0x3FB5]  }
0x2d: {  	s3 =	simm.s32 $0x108;
	s8 =	sld [smem:$0x3FB6]  }
0x2e: {  	s3 =	simm.s32 @!p0 $0x1082;
	s9 =	sld [smem:$0x3FB7]  }
0x2f: {  	lr =	sadd.s32 s0, s3;
	s0 =	sld [smem:$0x3FAE]  }
0x30: {  	s3 =	sld [smem:$0x3FB1]  }
0x31: {  	[smem:$0x3FBA] =	sst s10  }
0x32: {  	s10 =	sld [smem:$0x3FB8];
	_ =	sdelay $0x3  }
0x33: {  	p0 =	seq.s32 s10, $0x1;
	s10 =	sld [smem:$0x3FBA];
	_ =	sdelay $0x3  }
0x34: {  	[smem:$0x3FBA] =	sst s10  }
0x35: {  	s10 =	sld [smem:$0x3FB9];
	_ =	sdelay $0x3  }
0x36: {  	p1 =	seq.s32 s10, $0x1;
	s10 =	sld [smem:$0x3FBA];
	_ =	sdelay $0x3  }
0x37: {  	[smem:$0x3FBA] =	sst s10  }
0x38: {  	s10 =	sld [smem:$0x3FBB]  }
0x39: {  	_ = 	snop;
	(pc) =	sbr.ind lr, $3  }
0x3a: {  	_ = 	snop  }
0x3b: {  	_ = 	snop  }
0x3c: {  	p2 =	seq.s32 s10, $0x1;
	s10 =	sld [smem:$0x3FBA]  }
0x3d: {  	_ =	shalt  }
0x3e: {  	_ =	shalt  }
0x3f: {  	_ =	shalt  }
0x40: {  	_ =	shalt  }
0x41: {  	_ =	shalt  }
0x42: {  	_ =	shalt  }
0x43: {  	_ =	shalt  }
0x44: {  	_ =	shalt  }
0x45: {  	_ =	shalt  }
0x46: {  	_ =	shalt  }
0x47: {  	_ =	shalt  }
0x48: {  	_ =	shalt  }
0x49: {  	_ =	shalt  }
0x4a: {  	_ =	shalt  }
0x4b: {  	_ =	shalt  }
0x4c: {  	_ =	shalt  }
0x4d: {  	_ =	shalt  }
0x4e: {  	_ =	shalt  }
0x4f: {  	_ =	shalt  }
0x50: {  	_ =	shalt  }
0x51: {  	_ =	shalt  }
0x52: {  	_ =	shalt  }
0x53: {  	_ =	shalt  }
0x54: {  	_ =	shalt  }
0x55: {  	_ =	shalt  }
0x56: {  	_ =	shalt  }
0x57: {  	_ =	shalt  }
0x58: {  	_ =	shalt  }
0x59: {  	_ =	shalt  }
0x5a: {  	_ =	shalt  }
0x5b: {  	_ =	shalt  }
0x5c: {  	_ =	shalt  }
0x5d: {  	_ =	shalt  }
0x5e: {  	_ =	shalt  }
0x5f: {  	_ =	shalt  }
0x60: {  	_ =	shalt  }
0x61: {  	_ =	shalt  }
0x62: {  	_ =	shalt  }
0x63: {  	_ =	shalt  }
0x64: {  	_ =	shalt  }
0x65: {  	_ =	shalt  }
0x66: {  	_ =	shalt  }
0x67: {  	_ =	shalt  }
0x68: {  	_ =	shalt  }
0x69: {  	_ =	shalt  }
0x6a: {  	_ =	shalt  }
0x6b: {  	_ =	shalt  }
0x6c: {  	_ =	shalt  }
0x6d: {  	_ =	shalt  }
0x6e: {  	_ =	shalt  }
0x6f: {  	_ =	shalt  }
0x70: {  	_ =	shalt  }
0x71: {  	_ =	shalt  }
0x72: {  	_ =	shalt  }
0x73: {  	_ =	shalt  }
0x74: {  	_ =	shalt  }
0x75: {  	_ =	shalt  }
0x76: {  	_ =	shalt  }
0x77: {  	_ =	shalt  }
0x78: {  	_ =	shalt  }
0x79: {  	_ =	shalt  }
0x7a: {  	_ =	shalt  }
0x7b: {  	_ =	shalt  }
0x7c: {  	_ =	shalt  }
0x7d: {  	_ =	shalt  }
0x7e: {  	_ =	shalt  }
0x7f: {  	_ =	shalt  }
0x80: {  	_ =	shalt  }
0x81: {  	_ =	shalt  }
0x82: {  	_ =	shalt  }
0x83: {  	_ =	shalt  }
0x84: {  	_ =	shalt  }
0x85: {  	_ =	shalt  }
0x86: {  	_ =	shalt  }
0x87: {  	_ =	shalt  }
.Lfunc_end0:
.L_simem_size_0:
called_computation.1_lowered:
.L_overlay_start_0:
0x88: {  	s2 =	sld [smem:$0x3FD9]  }
0x89: {  	s3 =	sld [smem:$0x3FFE];
	_ =	sdelay $0x1  }
0x8a: {  	s1 =	srdreg.scid  }
0x8b: {  	s0 =	sand.u32 $0x1, s1  }
0x8c: {  	s17 =	sshll.u32 s0, $0xA;
	s2 =	sadd.s32 s3, s2  }
0x8d: {  	s2 =	sadd.s32 s2, s17  }
0x8e: {  	[smem:$0x3FC6] =	sst s2  }
0x8f: {  	_ = 	snop  }
0x90: {  	s18 =	sld [smem:$0x3FD0];
	(tm) =	ssettm $0x1  }
0x91: {  	s19 =	sld [smem:$0x3FFB];
	_ =	sdelay $0x3  }
0x92: {  	_ =	strace s19  }
0x93: {  	s2 =	sld [smem:$0x3FFC];
	_ =	sdelay $0x3  }
0x94: {  	_ =	strace s2  }
0x95: {  	s2 =	sld [smem:$0x3FFD];
	_ =	sdelay $0x3  }
0x96: {  	_ =	strace s2  }
0x97: {  	_ =	strace $0x8FFFFFFF  }
0x98: {  	s20 =	sld [smem:$0x3FDB];
	_ =	sdelay $0x1  }
0x99: {  	s4 =	simm.s32 $_scs_section_size  }
0x9a: {  	s5 =	simm.s32 $_size__tile_overlayer_lowered;
	s6 =	simm.s32 $_tile_overlayer_lowered  }
0x9b: {  	s7 =	simm.s32 $0x1BFF;
	s21 =	sshll.u32 s6, $0x1;
	s4 =	sadd.s32 s4, s20  }
0x9c: {  	s22 =	simm.s32 $0x0;
	s5 =	sshll.u32 s5, $0x1;
	s6 =	sadd.s32 s21, s4  }
0x9d: {  	[timem:s22], [sflag:s7] =	dma.local [hbm:s6], s5  }
0x9e: {  	_ =	swait.ge [sflag:s7], s5  }
0x9f: {  	s5 =	ssub.s32 $0x0, s5;
	[sflag:s7] =	ssyncset.done $0x0  }
0xa0: {  	[sflag:s7] =	ssyncadd.s32 s5;
	_ =	sdelay $0x1  }
0xa1: {  	s23 =	simm.s32 $0x1B8B  }
0xa2: {  	_ =	swait.ge [sflag:s23], $0x1  }
0xa3: {  	[sflag:s23] =	ssyncset.done $0x0  }
0xa4: {  	[sflag:s23] =	ssyncadd.s32 $0xFFFFFFFF  }
0xa5: {  	s5 =	sld [smem:$0x0]  }
0xa6: {  	s6 =	sand.u32 $0xFFFFFFFE, s1  }
0xa7: {  	p0 =	sne.s32 s1, s6  }
0xa8: {  	s6 =	sshll.u32 @p0 s6, $0xE  }
0xa9: {  	s6 =	sadd.s32 @p0 $0x11B8D, s6;
	s7 =	sshll.u32 @p0 s5, $0x11  }
0xaa: {  	s6 =	sor.u32 @p0 s7, s6  }
0xab: {  	[sflag:s6] =	ssyncadd.remote.s32 @p0 $0x1;
	_ =	sdelay $0x1  }
0xac: {  	s6 =	simm.s32 @p0 $0x1B8D  }
0xad: {  	_ =	swait.eq @p0 [sflag:s6], $0x1  }
0xae: {  	[sflag:s6] =	ssyncadd.s32 @p0 $0xFFFFFFFF  }
0xaf: {  	s7 =	sshll.u32 @!p0 s1, $0xE  }
0xb0: {  	s7 =	sor.u32 @!p0 $0x4000, s7;
	s6 =	simm.s32 @!p0 $0x1B8D  }
0xb1: {  	s5 =	sshll.u32 @!p0 s5, $0x11;
	s7 =	sadd.s32 @!p0 $0x11B8D, s7;
	_ =	swait.eq @!p0 [sflag:s6], $0x1  }
0xb2: {  	s5 =	sor.u32 @!p0 s5, s7;
	[sflag:s6] =	ssyncadd.s32 @!p0 $0xFFFFFFFF  }
0xb3: {  	s25 =	simm.s32 $0x1B8E;
	s24 =	sld [smem:$0x3FFE];
	[sflag:s5] =	ssyncadd.remote.s32 @!p0 $0x1  }
0xb4: {  	s26 =	simm.s32 $execute0_lowered;
	[smem:$0x3FD2] =	sst s25  }
0xb5: {  	s6 =	sshll.u32 s26, $0x1;
	_ =	strace $0x8000004C;
	[dreg:$0x1] =	wrdreg $0xFFFFFFFF  }
0xb6: {  	s28 =	simm.s32 $_size_execute0_lowered;
	s4 =	sadd.s32 s4, s6;
	[dreg:$0x0] =	wrdreg $0x0  }
0xb7: {  	s6 =	sshll.u32 s28, $0x1;
	[dreg:$0x2] =	wrdreg s4  }
0xb8: {  	[dreg:$0x3] =	wrdreg s6  }
0xb9: {  	[dreg:$0x4] =	wrdreg $0xC0  }
0xba: {  	_ =	task [dreg:s22], $0x5FFFF  }
0xbb: {  	[dreg:$0x1] =	wrdreg $0xFFFFFFFF  }
0xbc: {  	[dreg:$0x0] =	wrdreg $0x60  }
0xbd: {  	[dreg:$0x2] =	wrdreg s18  }
0xbe: {  	[dreg:$0x3] =	wrdreg s24  }
0xbf: {  	[dreg:$0x4] =	wrdreg $0x9  }
0xc0: {  	_ =	task.clear_ibuf [dreg:s22], $0x5FFFF;
	_ =	strace $0x9000004C  }
0xc1: {  	s29 =	simm.s32 $0x9;
	_ =	strace $0x8000004E  }
0xc2: {  	_ =	swait.ge [sflag:s29], $0x1  }
0xc3: {  	[sflag:s29] =	ssyncadd.s32 $0xFFFFFFFF  }
0xc4: {  	_ =	strace $0x9000004E  }
0xc5: {  	_ =	sfence  }
0xc6: {  	s30 =	sld [smem:$0x0];
	_ =	sdelay $0x2  }
0xc7: {  	s31 =	sshll.u32 s1, $0xD;
	s1 =	sshrl.u32 s1, $0x2  }
0xc8: {  	s4 =	sand.u32 $0x4000, s31;
	s1 =	sadd.s32 s1, s30  }
0xc9: {  	s0 =	sor.u32 s4, s0;
	s1 =	sshll.u32 s1, $0x11  }
0xca: {  	s0 =	sor.u32 s1, s0  }
0xcb: {  	s0 =	sadd.s32 $0x8F2B, s0  }
0xcc: {  	[sflag:s0] =	ssyncadd.remote.s32 $0x1  }
0xcd: {  	_ =	sfence.sel $0xFFFF  }
0xce: {  	[dreg:$0x0] =	wrdreg $0xFFFFFFFF;
	(pc) =	sbr.abs _section_cstart, $3  }
0xcf: {  	[dreg:$0x1] =	wrdreg $0xFFFFFFFF  }
0xd0: {  	_ =	task.clear_ibuf [dreg:s22], $0x2FFFF;
	_ =	strace $0x9FFFFFFF  }
0xd1: {  	(tm) =	ssettm $0x7FFFFFFF  }
tec
execute0_lowered:
.L_overlay_start_1:
0x0: {  	(tag) =	ssettag $0x1  }
0x1: {  	s5 =	rddreg [dreg:$0x0]  }
0x2: {  	s6 =	rddreg [dreg:$0x1]  }
0x3: {  	s0 =	rddreg [dreg:$0x2];
	s2 =	simm.s32 $0x0;
	s3 =	srdreg.scid  }
0x4: {  	s1 =	stileid.u32;
	s10 =	simm.s32 $0x600;
	s11 =	simm.s32 $0x400  }
0x5: {  	s12 =	simm.s32 $0x1600;
	s13 =	simm.s32 $0x1;
	s14 =	simm.s32 $0x2600  }
0x6: {  	s15 =	simm.s32 $0x0;
	[smem:$0x7FF] =	sst s2;
	s4 =	sand.u32 $0x1, s3  }
0x7: {  	s7 =	sshll.u32 s1, $0x7;
	s3 =	sadd.s32 $0x31800, s6;
	s8 =	sshll.u32 s4, $0x6  }
0x8: {  	_ =	strace $0x8000004D;
	s31 =	ssub.s32 $0x2, s4;
	s7 =	sor.u32 s8, s7  }
0x9: {  	s4 =	sadd.s32 $0x21800, s6;
	s9 =	sshrl.u32 s31, $0x1;
	s6 =	sadd.s32 s7, s6  }
0xa: {  	v0 =	vlaneseq.u32;
	s8 =	ssub.s32 s31, s9;
	s5 =	sadd.s32 s5, s7;
	s9 =	simm.s32 $0x200  }
0xb: {  	v0 =	vmul.u32 $0x8, v0;
	s6 =	sadd.s32 $0x41800, s6;
	s7 =	smax.u32 s8, $0x1;
	s8 =	simm.s32 $0x2  }
.LBB2_1:
0xc: {  	[tilespmem:s2], [sflag:$0x2] =	stream.linear.gather [hbm4b:s5+s2], $0x200, $0x38;
	[tilespmem:$0x2800] =	vst v63  }
0xd: {  	_ =	swait.ge [sflag:s8], $0x200  }
0xe: {  	[sflag:s8] =	ssyncset.done $0x0  }
0xf: {  	s16 =	simm.s32 $0x0;
	[sflag:s8] =	ssyncadd.s32 $0xFFFFFE00  }
0x10: {  	v1 =	vld [tilespmem:s16+$0x0]  }
0x11: {  	s17 =	simm.s32 $0x40  }
.LBB2_2:
0x12: {  	_ = 	snop  }
0x13: {  	p0 =	sne.s32 s17, $0x7C0  }
.Ltmp0:
0x14: {  	_ = 	snop;
	(pc) =	sbr.rel @p0 .LBB2_2-.Ltmp0, $4  }
0x15: {  	v2 =	vshrl.u32 v1, $0x3  }
0x16: {  	s18 =	sshra.s32 s17, $0x2;
	v2 =	vand.u32 $0xFFFF, v2  }
0x17: {  	v1 =	vld [tilespmem:s18+$0x0];
	[tilespmem:s16+$0x400] =	vst v2  }
0x18: {  	s17 =	sadd.s32 $0x40, s17;
	[tilespmem:s16+$0x200] =	vst v2;
	s16 =	smov.u32 s18  }
0x19: {  	_ =	sdelay $0x2  }
0x1a: {  	v1 =	vshrl.u32 v1, $0x3  }
0x1b: {  	v1 =	vand.u32 $0xFFFF, v1  }
0x1c: {  	[tilespmem:s16+$0x400] =	vst v1  }
0x1d: {  	[tilespmem:s16+$0x200] =	vst v1  }
0x1e: {  	[tilespmem:s10], [sflag:$0x1] =	stream.indirect.gather [hbm4b:s3+s9], $0x8, s9, s9, $0xb8;
	[tilespmem:$0x2800] =	vst v63  }
0x1f: {  	_ = 	snop  }
0x20: {  	[tilespmem:s12], [sflag:$0x1] =	stream.indirect.gather [hbm4b:s4+s9], $0x8, s11, s9, $0xb8;
	[tilespmem:$0x2800] =	vst v63  }
0x21: {  	_ =	swait.ge [sflag:s13], $0x1000  }
0x22: {  	[sflag:s13] =	ssyncset.done $0x0  }
0x23: {  	[sflag:s13] =	ssyncadd.s32 $0xFFFFF000  }
0x24: {  	_ =	swait.ge [sflag:s13], $0x1000  }
0x25: {  	[sflag:s13] =	ssyncset.done $0x0  }
0x26: {  	s31 =	simm.s32 $0x0;
	[sflag:s13] =	ssyncadd.s32 $0xFFFFF000  }
0x27: {  	v1 =	vld [tilespmem:s31+$0x0];
	_ =	sdelay $0x2  }
0x28: {  	v2 =	vmov s31  }
0x29: {  	v2 =	vshll.u32 v2, $0x3  }
0x2a: {  	v2 =	vor.u32 v0, v2;
	v3 =	vand.u32 $0x7, v1  }
0x2b: {  	v2 =	vor.u32 v2, v3;
	_ =	sdelay $0x4  }
0x2c: {  	v3 =	vld.idx.msk [tilespmem:v2+s10+$0x0], $0xffff  }
0x2d: {  	v2 =	vld.idx.msk [tilespmem:v2+s12+$0x0], $0xffff;
	_ =	sdelay $0x3  }
0x2e: {  	vm0 =	vgt.s32 v1, $0x7FFFF  }
0x2f: {  	s16 =	simm.s32 $0x2600;
	v1 =	vsel vm0, v2, v3  }
0x30: {  	s17 =	simm.s32 $0x10;
	[tilespmem:s16+$0x0] =	vst v1  }
0x31: {  	v1 =	vld [tilespmem:s17+$0x0]  }
0x32: {  	s18 =	simm.s32 $0x20;
	s19 =	simm.s32 $0x10  }
.LBB2_4:
0x33: {  	p0 =	sne.s32 s18, $0x1F0  }
0x34: {  	v2 =	vmov s17;
	s17 =	smov.u32 s18  }
0x35: {  	v2 =	vshll.u32 v2, $0x3  }
0x36: {  	v2 =	vor.u32 v0, v2;
	v3 =	vand.u32 $0x7, v1  }
0x37: {  	v2 =	vor.u32 v2, v3;
	_ =	sdelay $0x4  }
0x38: {  	v3 =	vld.idx.msk [tilespmem:v2+s10+$0x0], $0xffff  }
0x39: {  	v2 =	vld.idx.msk [tilespmem:v2+s12+$0x0], $0xffff;
	_ =	sdelay $0x4  }
.Ltmp1:
0x3a: {  	vm0 =	vgt.s32 v1, $0x7FFFF;
	(pc) =	sbr.rel @p0 .LBB2_4-.Ltmp1, $4  }
0x3b: {  	s16 =	sadd.s32 $0x10, s16;
	v1 =	vsel vm0, v2, v3  }
0x3c: {  	s19 =	sadd.s32 $0x10, s19;
	[tilespmem:s16+$0x0] =	vst v1  }
0x3d: {  	v1 =	vld [tilespmem:s19+$0x0]  }
0x3e: {  	s18 =	sadd.s32 $0x10, s18  }
0x3f: {  	_ = 	snop  }
0x40: {  	v2 =	vmov s17  }
0x41: {  	v2 =	vshll.u32 v2, $0x3  }
0x42: {  	v2 =	vor.u32 v0, v2;
	v3 =	vand.u32 $0x7, v1  }
0x43: {  	v2 =	vor.u32 v2, v3;
	_ =	sdelay $0x4  }
0x44: {  	v3 =	vld.idx.msk [tilespmem:v2+s10+$0x0], $0xffff  }
0x45: {  	v2 =	vld.idx.msk [tilespmem:v2+s12+$0x0], $0xffff;
	_ =	sdelay $0x3  }
0x46: {  	s15 =	sadd.s32 $0x1, s15;
	vm0 =	vgt.s32 v1, $0x7FFFF  }
0x47: {  	s16 =	sadd.s32 $0x10, s16;
	p0 =	sne.s32 s15, s7;
	v1 =	vsel vm0, v2, v3  }
.Ltmp2:
0x48: {  	[tilespmem:s16+$0x0] =	vst v1;
	(pc) =	sbr.rel @p0 .LBB2_1-.Ltmp2, $4  }
0x49: {  	[hbm4b:s6+s2] =	stream.linear.scatter [tilespmem:s14], [sflag:$0x2], $0x200, $0x38;
	[tilespmem:$0x2800] =	vst v63  }
0x4a: {  	_ =	swait.ge [sflag:s8], $0x200  }
0x4b: {  	[sflag:s8] =	ssyncset.done $0x0  }
0x4c: {  	[sflag:s8] =	ssyncadd.s32 $0xFFFFFE00  }
0x4d: {  	_ =	sfence.sel $0x180000  }
0x4e: {  	[bflag:$0x0] =	sbarrier.arrive $0xFFFF  }
0x4f: {  	p0 =	sne.s32 s1, $0x0;
	_ =	strace $0x9000004D  }
0x50: {  	s0 =	sadd.s32 @!p0 $0x100000, s0;
	[bflag:$0x2] =	sbarrier.arrive $0xFFFF  }
0x51: {  	[sflag:s0] =	ssyncadd.tile.s32 @!p0 $0x1;
	_ =	shalt  }
.Lfunc_end2:
_tile_overlayer_lowered:
.L_overlay_start_2:
0x52: {  	(tag) =	ssettag $0x2  }
0x53: {  	s0 =	rddreg [dreg:$0x0];
	s2 =	stileid.u32  }
0x54: {  	s1 =	rddreg [dreg:$0x1];
	p0 =	sne.s32 s2, $0x0  }
0x55: {  	s3 =	rddreg [dreg:$0x2];
	[bflag:$0x3] =	sbarrier.arrive $0xFFFF;
	s2 =	simm.s32 @!p0 $0x1C02  }
0x56: {  	[timem:s3], [sflag:s2] =	dma.local @!p0 [hbm:s0], s1  }
0x57: {  	s0 =	simm.s32 @!p0 $0x2  }
0x58: {  	_ =	swait.ge @!p0 [sflag:s0], s1  }
0x59: {  	s1 =	ssub.s32 @!p0 $0x0, s1;
	[sflag:s0] =	ssyncset.done @!p0 $0x0  }
0x5a: {  	[sflag:s0] =	ssyncadd.s32 @!p0 s1  }
0x5b: {  	[bflag:$0x3] =	sbarrier.arrive $0xFFFF  }
0x5c: {  	_ =	shalt  }

</sc_bundles>
